<compile_context>
chip_gen: v7x
topology: tpu7x:2x2x1
jax: 0.10.2.dev20260603
libtpu: 0.0.44.dev20260713+nightly
codegen_flags: <defaults>
</compile_context>

<pallas_src>
import jax
import jax.numpy as jnp
import numpy as np
from jax.experimental import pallas as pl
from jax.experimental.pallas import tpu as pltpu

H = 128
R = 32
CUT = 0.5
CLO = 0.0
MAXZ_PAD = 128
BE = 2048
WN = 128


def _edge_scatter_block(eb_r, nb_r, fi_r, va_r, nw_r,
                        src_r, az_r, fr_r,
                        embP_r, embQ_r, bz_r, wias_r, bias_r,
                        out_r, m_r):
    p = pl.program_id(0)
    j = nb_r[p]
    first = fi_r[p]
    valid = va_r[p]

    be = src_r.shape[2]
    src = src_r[...].reshape(1, be)

    @pl.when(nw_r[p] == 1)
    def _():
        az = az_r[...].reshape(be, 2)
        azs = az[:, 0:1]
        azd = az[:, 1:2]
        ohS = (jax.lax.broadcasted_iota(jnp.int32, (be, MAXZ_PAD), 1) == azs
               ).astype(jnp.bfloat16)
        ohD = (jax.lax.broadcasted_iota(jnp.int32, (be, MAXZ_PAD), 1) == azd
               ).astype(jnp.bfloat16)
        zij = (jnp.dot(ohS, embP_r[...], preferred_element_type=jnp.float32)
               + jnp.dot(ohD, embQ_r[...], preferred_element_type=jnp.float32)
               + bz_r[...])

        fr = fr_r[...].reshape(be, 4)
        d = fr[:, 0:1]
        rcut = 0.5 * (jnp.cos(d * (np.pi / CUT)) + 1.0) * (d < CUT)
        alpha = 5.0 / (CUT - CLO)
        start = float(np.exp(-(CUT - CLO)))
        step = (1.0 - start) / (R - 1)
        means = (start + step *
                 jax.lax.broadcasted_iota(jnp.int32, (1, R), 1
                                          ).astype(jnp.float32))
        beta = (2.0 / R * (1.0 - start)) ** -2
        ex = jnp.exp(alpha * (CLO - d))
        rfv = jnp.exp(-beta * (ex - means) ** 2) * rcut

        pIAS = (jnp.dot(rfv.astype(jnp.bfloat16), wias_r[...],
                        preferred_element_type=jnp.float32)
                + bias_r[...])
        base = rcut * zij
        uI = pIAS[:, 0 * H:1 * H] * base
        uA = pIAS[:, 1 * H:2 * H] * base
        uS = pIAS[:, 2 * H:3 * H] * base

        dinv = 1.0 / d
        rxn = fr[:, 1:2] * dinv
        ryn = fr[:, 2:3] * dinv
        rzn = fr[:, 3:4] * dinv
        tr3 = (rxn * rxn + ryn * ryn + rzn * rzn) * (1.0 / 3.0)

        m_r[...] = jnp.concatenate([
            uI,
            rxn * uA, ryn * uA, rzn * uA,
            (rxn * rxn - tr3) * uS, (ryn * ryn - tr3) * uS,
            (rzn * rzn - tr3) * uS,
            (rxn * ryn) * uS, (rxn * rzn) * uS, (ryn * rzn) * uS,
        ], axis=1).astype(jnp.bfloat16)

    rows = jax.lax.broadcasted_iota(jnp.int32, (WN, be), 0) + j * WN
    sel = ((rows == src) & (valid == 1)).astype(jnp.bfloat16)
    contrib = jnp.dot(sel, m_r[...], preferred_element_type=jnp.float32)

    @pl.when(first == 1)
    def _():
        out_r[...] = jnp.zeros_like(out_r)

    out_r[...] += contrib


def _edge_scatter(eb, nb, fi, va, nw, src3, az3, fr3,
                  embP, embQ, bz, wias, bias, npad, interpret=False):
    n_pairs = eb.shape[0]
    be = src3.shape[2]
    full = lambda shp: pl.BlockSpec(shp, lambda p, e, n, f, v, w: (0, 0))
    grid_spec = pltpu.PrefetchScalarGridSpec(
        num_scalar_prefetch=5,
        grid=(n_pairs,),
        in_specs=[
            pl.BlockSpec((1, 1, be), lambda p, e, n, f, v, w: (e[p], 0, 0)),
            pl.BlockSpec((1, be, 2), lambda p, e, n, f, v, w: (e[p], 0, 0)),
            pl.BlockSpec((1, be, 4), lambda p, e, n, f, v, w: (e[p], 0, 0)),
            full((MAXZ_PAD, H)), full((MAXZ_PAD, H)), full((1, H)),
            full((R, 3 * H)), full((1, 3 * H)),
        ],
        out_specs=pl.BlockSpec((WN, 10 * H),
                               lambda p, e, n, f, v, w: (n[p], 0)),
        scratch_shapes=[pltpu.VMEM((be, 10 * H), jnp.bfloat16)],
    )
    return pl.pallas_call(
        _edge_scatter_block,
        grid_spec=grid_spec,
        out_shape=jax.ShapeDtypeStruct((npad, 10 * H), jnp.float32),
        compiler_params=pltpu.CompilerParams(
            dimension_semantics=("arbitrary",)),
        interpret=interpret,
    )(eb, nb, fi, va, nw, src3, az3, fr3, embP, embQ, bz, wias, bias)


def _node_phase_block(acc_ref, wt0_ref, wt1_ref, wt2_ref, ws1_ref, bs1_ref,
                      ws2_ref, bs2_ref, g_ref, b_ref, out_ref):
    acc = acc_ref[...]
    sI = acc[:, 0, :]
    w0, w1, w2 = acc[:, 1, :], acc[:, 2, :], acc[:, 3, :]
    mxx, myy, mzz = acc[:, 4, :], acc[:, 5, :], acc[:, 6, :]
    mxy, mxz, myz = acc[:, 7, :], acc[:, 8, :], acc[:, 9, :]

    frob = (3.0 * sI * sI + 2.0 * (w0 * w0 + w1 * w1 + w2 * w2)
            + (mxx * mxx + myy * myy + mzz * mzz)
            + 2.0 * (mxy * mxy + mxz * mxz + myz * myz))

    mu = jnp.mean(frob, axis=-1, keepdims=True)
    var = jnp.mean((frob - mu) ** 2, axis=-1, keepdims=True)
    x = (frob - mu) * jax.lax.rsqrt(var + 1e-5) * g_ref[...] + b_ref[...]

    h1 = x @ ws1_ref[...] + bs1_ref[...]
    h1 = h1 * jax.nn.sigmoid(h1)
    h2 = h1 @ ws2_ref[...] + bs2_ref[...]
    h2 = h2 * jax.nn.sigmoid(h2)
    n0 = h2[:, 0 * H:1 * H]
    n1 = h2[:, 1 * H:2 * H]
    n2 = h2[:, 2 * H:3 * H]

    wt0 = wt0_ref[...]
    wt1 = wt1_ref[...]
    wt2 = wt2_ref[...]
    sIp = (sI @ wt0) * n0
    w0p = (w0 @ wt1) * n1
    w1p = (w1 @ wt1) * n1
    w2p = (w2 @ wt1) * n1
    mxxp = (mxx @ wt2) * n2
    myyp = (myy @ wt2) * n2
    mzzp = (mzz @ wt2) * n2
    mxyp = (mxy @ wt2) * n2
    mxzp = (mxz @ wt2) * n2
    myzp = (myz @ wt2) * n2

    out_ref[:, 0, :] = sIp + mxxp
    out_ref[:, 1, :] = -w2p + mxyp
    out_ref[:, 2, :] = w1p + mxzp
    out_ref[:, 3, :] = w2p + mxyp
    out_ref[:, 4, :] = sIp + myyp
    out_ref[:, 5, :] = -w0p + myzp
    out_ref[:, 6, :] = -w1p + mxzp
    out_ref[:, 7, :] = w0p + myzp
    out_ref[:, 8, :] = sIp + mzzp


def _node_phase(acc, W_t0, W_t1, W_t2, W_s1, b_s1, W_s2p, b_s2p, ln_g, ln_b,
                interpret=False):
    npad = acc.shape[0]
    bn = 64
    grid = (npad // bn,)
    full = lambda shp: pl.BlockSpec(shp, lambda i: (0,) * len(shp))
    return pl.pallas_call(
        _node_phase_block,
        grid=grid,
        in_specs=[
            pl.BlockSpec((bn, 10, H), lambda i: (i, 0, 0)),
            full((H, H)), full((H, H)), full((H, H)),
            full((H, 2 * H)), full((2 * H,)),
            full((2 * H, 3 * H)), full((3 * H,)),
            full((H,)), full((H,)),
        ],
        out_specs=pl.BlockSpec((bn, 9, H), lambda i: (i, 0, 0)),
        out_shape=jax.ShapeDtypeStruct((npad, 9, H), jnp.float32),
        interpret=interpret,
    )(acc, W_t0, W_t1, W_t2, W_s1, b_s1, W_s2p, b_s2p, ln_g, ln_b)


def kernel(atomic_numbers, pair_indices, d_ij, r_ij, emb, W_zij, b_zij,
           W_I, b_I, W_A, b_A, W_S, b_S, W_t0, W_t1, W_t2,
           W_s1, b_s1, W_s2, b_s2, ln_g, ln_b, *, interpret=False):
    n = atomic_numbers.shape[0]
    e = d_ij.shape[0]
    src = pair_indices[0]
    dst = pair_indices[1]

    eidx = jnp.arange(e, dtype=jnp.uint32)
    key = (src.astype(jnp.uint32) << 18) | eidx
    skey = jnp.sort(key)
    srcs = (skey >> 18).astype(jnp.int32)
    order = (skey & jnp.uint32(0x3FFFF)).astype(jnp.int32)
    azs = atomic_numbers[srcs].astype(jnp.int32)
    azd = atomic_numbers[dst[order]].astype(jnp.int32)
    frpre = jnp.stack([d_ij[:, 0], r_ij[:, 0], r_ij[:, 1], r_ij[:, 2]],
                      axis=-1)
    frs = frpre[order]

    nEb = (e + BE - 1) // BE
    epad = nEb * BE
    npad = ((n + WN - 1) // WN) * WN
    nNb = npad // WN

    pe = epad - e
    srcp = jnp.pad(srcs.astype(jnp.int32), (0, pe), constant_values=n)
    azsp = jnp.pad(azs, (0, pe))
    azdp = jnp.pad(azd, (0, pe))
    frp = jnp.pad(frs, ((0, pe), (0, 0)))
    frp = frp.at[e:, 0].set(1.0) if pe else frp

    src3 = srcp.reshape(nEb, 1, BE)
    az3 = jnp.stack([azsp, azdp], axis=-1).reshape(nEb, BE, 2)
    fr3 = frp.reshape(nEb, BE, 4)

    wb = jnp.arange(nNb, dtype=jnp.int32)
    e0 = jnp.searchsorted(srcp, wb * WN).astype(jnp.int32)
    e1 = jnp.searchsorted(srcp, wb * WN + WN).astype(jnp.int32)
    empty = e1 == e0
    b0 = jnp.clip(e0 // BE, 0, nEb - 1)
    b1 = jnp.where(empty, b0, jnp.clip((e1 - 1) // BE, 0, nEb - 1))
    cnt = jnp.where(empty, 1, b1 - b0 + 1)
    starts = jnp.concatenate([jnp.zeros(1, jnp.int32),
                              jnp.cumsum(cnt)[:-1].astype(jnp.int32)])

    n_pairs = nEb + nNb - 1
    p = jnp.arange(n_pairs, dtype=jnp.int32)
    j = jnp.clip(jnp.searchsorted(starts, p, side='right').astype(jnp.int32)
                 - 1, 0, nNb - 1)
    boff = p - starts[j]
    eb = jnp.clip(b0[j] + boff, 0, nEb - 1).astype(jnp.int32)
    va = ((~empty[j]) & (boff <= b1[j] - b0[j])).astype(jnp.int32)
    nb = j
    fi = (p == starts[j]).astype(jnp.int32)
    nw = jnp.concatenate([jnp.ones(1, jnp.int32),
                          (eb[1:] != eb[:-1]).astype(jnp.int32)])

    embP = (emb @ W_zij[:H]).astype(jnp.float32)
    embQ = (emb @ W_zij[H:]).astype(jnp.float32)
    embP = jnp.pad(embP, ((0, MAXZ_PAD - embP.shape[0]), (0, 0))
                   ).astype(jnp.bfloat16)
    embQ = jnp.pad(embQ, ((0, MAXZ_PAD - embQ.shape[0]), (0, 0))
                   ).astype(jnp.bfloat16)
    bz = b_zij.reshape(1, H)
    wias = jnp.concatenate([W_I, W_A, W_S], axis=1).astype(jnp.bfloat16)
    bias = jnp.concatenate([b_I, b_A, b_S]).reshape(1, 3 * H)

    acc = _edge_scatter(eb, nb, fi, va, nw, src3, az3, fr3,
                        embP, embQ, bz, wias, bias, npad,
                        interpret=interpret)
    acc = acc.reshape(npad, 10, H)

    perm = jnp.arange(3 * H).reshape(H, 3).T.reshape(-1)
    W_s2p = W_s2[:, perm]
    b_s2p = b_s2[perm]

    out9 = _node_phase(acc, W_t0, W_t1, W_t2, W_s1, b_s1, W_s2p, b_s2p,
                       ln_g, ln_b, interpret=interpret)
    out = jnp.transpose(out9[:n], (0, 2, 1)).reshape(n, H, 3, 3)
    return out

# --- scband reference (transcript-rebuilt; emitter-appended) ---
"""Pipeline reference for scband-tensor-net-representation-23596550324527 (READ-ONLY COPY).

The authoritative reference and input builder live on the scoring server;
editing this copy changes nothing except your own understanding.
"""

import jax, jax.numpy as jnp
import numpy as np

H = 128
R = 32
CUT = 0.5
CLO = 0.0
MAXZ = 100
N = 10000
E = 160000


def cosine_cutoff(d):
    return 0.5 * (jnp.cos(d * jnp.pi / CUT) + 1.0) * (d < CUT)


def expnorm_rbf(d):
    # d: [E,1] -> [E,1,R], exp-normal smearing (TensorNet/TorchMD-Net style)
    alpha = 5.0 / (CUT - CLO)
    start = float(np.exp(-(CUT - CLO)))
    means = jnp.linspace(start, 1.0, R).astype(jnp.float32)
    beta = (2.0 / R * (1.0 - start)) ** -2
    return jnp.exp(-beta * (jnp.exp(alpha * (CLO - d[..., None])) - means) ** 2)


def vector_to_skewtensor(v):
    z = jnp.zeros(v.shape[0], dtype=v.dtype)
    t = jnp.stack([z, -v[:, 2], v[:, 1], v[:, 2], z, -v[:, 0], -v[:, 1], v[:, 0], z], axis=1)
    return t.reshape(-1, 3, 3)


def vector_to_symtensor(v):
    t = v[:, :, None] * v[:, None, :]
    tr = (t[:, 0, 0] + t[:, 1, 1] + t[:, 2, 2]) / 3.0
    I = tr[:, None, None] * jnp.eye(3, dtype=v.dtype)
    return 0.5 * (t + jnp.swapaxes(t, -1, -2)) - I


def layernorm(x, g, b):
    mu = x.mean(-1, keepdims=True)
    var = ((x - mu) ** 2).mean(-1, keepdims=True)
    return (x - mu) / jnp.sqrt(var + 1e-5) * g + b


def setup_inputs(seed: int = 0):
    key = jax.random.key(seed)
    ks = jax.random.split(key, 20)
    s = 0.02
    inp = {}
    inp['atomic_numbers'] = jax.random.randint(ks[0], (N,), 0, MAXZ)
    inp['pair_indices'] = jax.random.randint(ks[1], (2, E), 0, N)
    inp['d_ij'] = jax.random.uniform(ks[2], (E, 1), minval=0.05, maxval=0.5, dtype=jnp.float32)
    inp['r_ij'] = jax.random.normal(ks[3], (E, 3), dtype=jnp.float32)
    inp['emb'] = jax.random.normal(ks[4], (MAXZ, H), dtype=jnp.float32) * s
    inp['W_zij'] = jax.random.normal(ks[5], (2 * H, H), dtype=jnp.float32) * s
    inp['b_zij'] = jnp.zeros(H, dtype=jnp.float32)
    inp['W_I'] = jax.random.normal(ks[6], (R, H), dtype=jnp.float32) * s
    inp['b_I'] = jnp.zeros(H, dtype=jnp.float32)
    inp['W_A'] = jax.random.normal(ks[7], (R, H), dtype=jnp.float32) * s
    inp['b_A'] = jnp.zeros(H, dtype=jnp.float32)
    inp['W_S'] = jax.random.normal(ks[8], (R, H), dtype=jnp.float32) * s
    inp['b_S'] = jnp.zeros(H, dtype=jnp.float32)
    inp['W_t0'] = jax.random.normal(ks[9], (H, H), dtype=jnp.float32) * s
    inp['W_t1'] = jax.random.normal(ks[10], (H, H), dtype=jnp.float32) * s
    inp['W_t2'] = jax.random.normal(ks[11], (H, H), dtype=jnp.float32) * s
    inp['W_s1'] = jax.random.normal(ks[12], (H, 2 * H), dtype=jnp.float32) * s
    inp['b_s1'] = jnp.zeros(2 * H, dtype=jnp.float32)
    inp['W_s2'] = jax.random.normal(ks[13], (2 * H, 3 * H), dtype=jnp.float32) * s
    inp['b_s2'] = jnp.zeros(3 * H, dtype=jnp.float32)
    inp['ln_g'] = jnp.ones(H, dtype=jnp.float32)
    inp['ln_b'] = jnp.zeros(H, dtype=jnp.float32)
    return inp


def reference(atomic_numbers, pair_indices, d_ij, r_ij, emb, W_zij, b_zij, W_I, b_I, W_A, b_A, W_S, b_S, W_t0, W_t1, W_t2, W_s1, b_s1, W_s2, b_s2, ln_g, ln_b):
    n = atomic_numbers.shape[0]
    src = pair_indices[0]
    # atomic number message: gather node embeddings at both endpoints, project
    zi = emb[atomic_numbers]
    zij = jnp.concatenate([zi[pair_indices[0]], zi[pair_indices[1]]], axis=-1)
    zij = (zij @ W_zij + b_zij)[:, :, None, None]
    # radial features + cutoff (representation unit = nanometer, conversion factor 1)
    rcut = cosine_cutoff(d_ij)
    rfv = expnorm_rbf(d_ij) * rcut[..., None]
    r_norm = r_ij / d_ij
    C = rcut.reshape(-1, 1, 1, 1) * zij
    eye = jnp.eye(3, dtype=r_ij.dtype)[None, None]
    pI = jnp.transpose(rfv @ W_I + b_I, (0, 2, 1))[..., None]
    pA = jnp.transpose(rfv @ W_A + b_A, (0, 2, 1))[..., None]
    pS = jnp.transpose(rfv @ W_S + b_S, (0, 2, 1))[..., None]
    Iij = pI * C * eye
    Aij = pA * C * vector_to_skewtensor(r_norm)[:, None]
    Sij = pS * C * vector_to_symtensor(r_norm)[:, None]
    zeros = jnp.zeros((n, H, 3, 3), dtype=Iij.dtype)
    I = zeros.at[src].add(Iij)
    A = zeros.at[src].add(Aij)
    S = zeros.at[src].add(Sij)
    norm = layernorm(((I + A + S) ** 2).sum((-2, -1)), ln_g, ln_b)
    norm = jax.nn.silu(norm @ W_s1 + b_s1)
    norm = jax.nn.silu(norm @ W_s2 + b_s2)
    norm = norm.reshape(-1, H, 3)
    I = jnp.transpose(jnp.transpose(I, (0, 2, 3, 1)) @ W_t0, (0, 3, 1, 2)) * norm[..., 0, None, None]
    A = jnp.transpose(jnp.transpose(A, (0, 2, 3, 1)) @ W_t1, (0, 3, 1, 2)) * norm[..., 1, None, None]
    S = jnp.transpose(jnp.transpose(S, (0, 2, 3, 1)) @ W_t2, (0, 3, 1, 2)) * norm[..., 2, None, None]
    return I + A + S

if __name__ == "__main__":
    import jax
    _d = setup_inputs()
    print(jax.jit(kernel)(*tuple(_d.values())))

</pallas_src>

<mosaic_0001>
module attributes {stable_mosaic.version = 14 : i64} {
  func.func @_edge_scatter_block(%arg0: i32, %arg1: memref<157xi32, #tpu.memory_space<smem>>, %arg2: memref<157xi32, #tpu.memory_space<smem>>, %arg3: memref<157xi32, #tpu.memory_space<smem>>, %arg4: memref<157xi32, #tpu.memory_space<smem>>, %arg5: memref<157xi32, #tpu.memory_space<smem>>, %arg6: memref<1x1x2048xi32, #tpu.memory_space<vmem>>, %arg7: memref<1x2048x2xi32, #tpu.memory_space<vmem>>, %arg8: memref<1x2048x4xf32, #tpu.memory_space<vmem>>, %arg9: memref<128x128xbf16, #tpu.memory_space<vmem>>, %arg10: memref<128x128xbf16, #tpu.memory_space<vmem>>, %arg11: memref<1x128xf32, #tpu.memory_space<vmem>>, %arg12: memref<32x384xbf16, #tpu.memory_space<vmem>>, %arg13: memref<1x384xf32, #tpu.memory_space<vmem>>, %arg14: memref<128x1280xf32, #tpu.memory_space<vmem>>, %arg15: memref<2048x1280xbf16, #tpu.memory_space<vmem>>) attributes {dimension_semantics = [#tpu.dimension_semantics<arbitrary>], iteration_bounds = array<i64: 157>, scalar_prefetch = 5 : i64, scratch_operands = 1 : i64, tpu.core_type = #tpu.core_type<tc>, window_params = [{transform_indices = @transform_0, window_bounds = array<i64: 1, 1, 2048>}, {transform_indices = @transform_1, window_bounds = array<i64: 1, 2048, 2>}, {transform_indices = @transform_2, window_bounds = array<i64: 1, 2048, 4>}, {pipeline_mode = #tpu.pipeline_mode<synchronous>, transform_indices = @transform_3, window_bounds = array<i64: 128, 128>}, {pipeline_mode = #tpu.pipeline_mode<synchronous>, transform_indices = @transform_4, window_bounds = array<i64: 128, 128>}, {pipeline_mode = #tpu.pipeline_mode<synchronous>, transform_indices = @transform_5, window_bounds = array<i64: 1, 128>}, {pipeline_mode = #tpu.pipeline_mode<synchronous>, transform_indices = @transform_6, window_bounds = array<i64: 32, 384>}, {pipeline_mode = #tpu.pipeline_mode<synchronous>, transform_indices = @transform_7, window_bounds = array<i64: 1, 384>}, {transform_indices = @transform_8, window_bounds = array<i64: 128, 1280>}]} {
    %get3A = arith.index_cast %arg0 : i32 to index
    %get3A_0 = memref.load %arg2[%get3A] : memref<157xi32, #tpu.memory_space<smem>>
    %get3A_1 = arith.index_cast %arg0 : i32 to index
    %get3A_2 = memref.load %arg3[%get3A_1] : memref<157xi32, #tpu.memory_space<smem>>
    %get3A_3 = arith.index_cast %arg0 : i32 to index
    %get3A_4 = memref.load %arg4[%get3A_3] : memref<157xi32, #tpu.memory_space<smem>>
    %get3A_5 = arith.constant 0 : index
    %get3A_6 = arith.constant 0 : index
    %get3A_7 = arith.constant 0 : index
    %get3A_8 = vector.load %arg6[%get3A_5, %get3A_6, %get3A_7] : memref<1x1x2048xi32, #tpu.memory_space<vmem>>, vector<1x1x2048xi32>
    %reshape3A = vector.shape_cast %get3A_8 : vector<1x1x2048xi32> to vector<1x2048xi32>
    %get3A_9 = arith.index_cast %arg0 : i32 to index
    %get3A_10 = memref.load %arg5[%get3A_9] : memref<157xi32, #tpu.memory_space<smem>>
    %eq3A = arith.constant 1 : i32
    %eq3A_11 = arith.cmpi eq, %get3A_10, %eq3A : i32
    %convert_element_type3A = arith.extui %eq3A_11 : i1 to i32
    %cond3A = arith.constant 0 : i32
    %cond3A_12 = arith.cmpi ne, %convert_element_type3A, %cond3A : i32
    scf.if %cond3A_12 {
      %get3A_38 = arith.constant 0 : index
      %get3A_39 = arith.constant 0 : index
      %get3A_40 = arith.constant 0 : index
      %get3A_41 = vector.load %arg7[%get3A_38, %get3A_39, %get3A_40] : memref<1x2048x2xi32, #tpu.memory_space<vmem>>, vector<1x2048x2xi32>
      %reshape3A_42 = vector.shape_cast %get3A_41 : vector<1x2048x2xi32> to vector<2048x2xi32>
      %slice3A = vector.extract_strided_slice %reshape3A_42 {offsets = [0, 0], sizes = [2048, 1], strides = [1, 1]} : vector<2048x2xi32> to vector<2048x1xi32>
      %slice3A_43 = vector.extract_strided_slice %reshape3A_42 {offsets = [0, 1], sizes = [2048, 1], strides = [1, 1]} : vector<2048x2xi32> to vector<2048x1xi32>
      %iota3A_44 = tpu.iota {dimensions = array<i32: 1>} : vector<2048x128xi32>
      %eq3A_45 = vector.broadcast %slice3A : vector<2048x1xi32> to vector<2048x128xi32>
      %eq3A_46 = arith.cmpi eq, %iota3A_44, %eq3A_45 : vector<2048x128xi32>
      %convert_element_type3A_47 = arith.extui %eq3A_46 : vector<2048x128xi1> to vector<2048x128xi32>
      %convert_element_type3A_48 = arith.sitofp %convert_element_type3A_47 : vector<2048x128xi32> to vector<2048x128xf32>
      %convert_element_type3A_49 = arith.truncf %convert_element_type3A_48 : vector<2048x128xf32> to vector<2048x128xbf16>
      %iota3A_50 = tpu.iota {dimensions = array<i32: 1>} : vector<2048x128xi32>
      %eq3A_51 = vector.broadcast %slice3A_43 : vector<2048x1xi32> to vector<2048x128xi32>
      %eq3A_52 = arith.cmpi eq, %iota3A_50, %eq3A_51 : vector<2048x128xi32>
      %convert_element_type3A_53 = arith.extui %eq3A_52 : vector<2048x128xi1> to vector<2048x128xi32>
      %convert_element_type3A_54 = arith.sitofp %convert_element_type3A_53 : vector<2048x128xi32> to vector<2048x128xf32>
      %convert_element_type3A_55 = arith.truncf %convert_element_type3A_54 : vector<2048x128xf32> to vector<2048x128xbf16>
      %get3A_56 = arith.constant 0 : index
      %get3A_57 = arith.constant 0 : index
      %get3A_58 = vector.load %arg9[%get3A_56, %get3A_57] : memref<128x128xbf16, #tpu.memory_space<vmem>>, vector<128x128xbf16>
      %dot_general3A_59 = arith.constant dense<0.000000e+00> : vector<2048x128xf32>
      %dot_general3A_60 = tpu.matmul %convert_element_type3A_49, %get3A_58, %dot_general3A_59 {dimension_numbers = #tpu.dot_dimension_numbers<[1], [0], [0], [1], [0, 0, 1, 1], [], []>, transpose_lhs_hint = false} : vector<2048x128xbf16>, vector<128x128xbf16>, vector<2048x128xf32> -> vector<2048x128xf32>
      %get3A_61 = arith.constant 0 : index
      %get3A_62 = arith.constant 0 : index
      %get3A_63 = vector.load %arg10[%get3A_61, %get3A_62] : memref<128x128xbf16, #tpu.memory_space<vmem>>, vector<128x128xbf16>
      %dot_general3A_64 = arith.constant dense<0.000000e+00> : vector<2048x128xf32>
      %dot_general3A_65 = tpu.matmul %convert_element_type3A_55, %get3A_63, %dot_general3A_64 {dimension_numbers = #tpu.dot_dimension_numbers<[1], [0], [0], [1], [0, 0, 1, 1], [], []>, transpose_lhs_hint = false} : vector<2048x128xbf16>, vector<128x128xbf16>, vector<2048x128xf32> -> vector<2048x128xf32>
      %add3A_66 = arith.addf %dot_general3A_60, %dot_general3A_65 : vector<2048x128xf32>
      %get3A_67 = arith.constant 0 : index
      %get3A_68 = arith.constant 0 : index
      %get3A_69 = vector.load %arg11[%get3A_67, %get3A_68] : memref<1x128xf32, #tpu.memory_space<vmem>>, vector<1x128xf32>
      %add3A_70 = vector.broadcast %get3A_69 : vector<1x128xf32> to vector<2048x128xf32>
      %add3A_71 = arith.addf %add3A_66, %add3A_70 : vector<2048x128xf32>
      %get3A_72 = arith.constant 0 : index
      %get3A_73 = arith.constant 0 : index
      %get3A_74 = arith.constant 0 : index
      %get3A_75 = vector.load %arg8[%get3A_72, %get3A_73, %get3A_74] : memref<1x2048x4xf32, #tpu.memory_space<vmem>>, vector<1x2048x4xf32>
      %reshape3A_76 = vector.shape_cast %get3A_75 : vector<1x2048x4xf32> to vector<2048x4xf32>
      %slice3A_77 = vector.extract_strided_slice %reshape3A_76 {offsets = [0, 0], sizes = [2048, 1], strides = [1, 1]} : vector<2048x4xf32> to vector<2048x1xf32>
      %mul3A_78 = arith.constant 6.28318548 : f32
      %mul3A_79 = vector.broadcast %mul3A_78 : f32 to vector<2048x1xf32>
      %mul3A_80 = arith.mulf %slice3A_77, %mul3A_79 : vector<2048x1xf32>
      %cos3A = math.cos %mul3A_80 : vector<2048x1xf32>
      %add3A_81 = arith.constant 1.000000e+00 : f32
      %add3A_82 = vector.broadcast %add3A_81 : f32 to vector<2048x1xf32>
      %add3A_83 = arith.addf %cos3A, %add3A_82 : vector<2048x1xf32>
      %mul3A_84 = arith.constant 5.000000e-01 : f32
      %mul3A_85 = vector.broadcast %mul3A_84 : f32 to vector<2048x1xf32>
      %mul3A_86 = arith.mulf %mul3A_85, %add3A_83 : vector<2048x1xf32>
      %lt3A = arith.constant 5.000000e-01 : f32
      %lt3A_87 = vector.broadcast %lt3A : f32 to vector<2048x1xf32>
      %lt3A_88 = arith.cmpf olt, %slice3A_77, %lt3A_87 : vector<2048x1xf32>
      %convert_element_type3A_89 = arith.extui %lt3A_88 : vector<2048x1xi1> to vector<2048x1xi32>
      %convert_element_type3A_90 = arith.sitofp %convert_element_type3A_89 : vector<2048x1xi32> to vector<2048x1xf32>
      %mul3A_91 = arith.mulf %mul3A_86, %convert_element_type3A_90 : vector<2048x1xf32>
      %iota3A_92 = tpu.iota {dimensions = array<i32: 1>} : vector<1x32xi32>
      %convert_element_type3A_93 = arith.sitofp %iota3A_92 : vector<1x32xi32> to vector<1x32xf32>
      %mul3A_94 = arith.constant 0.0126925595 : f32
      %mul3A_95 = vector.broadcast %mul3A_94 : f32 to vector<1x32xf32>
      %mul3A_96 = arith.mulf %mul3A_95, %convert_element_type3A_93 : vector<1x32xf32>
      %add3A_97 = arith.constant 0.606530666 : f32
      %add3A_98 = vector.broadcast %add3A_97 : f32 to vector<1x32xf32>
      %add3A_99 = arith.addf %add3A_98, %mul3A_96 : vector<1x32xf32>
      %sub3A = arith.constant 0.000000e+00 : f32
      %sub3A_100 = vector.broadcast %sub3A : f32 to vector<2048x1xf32>
      %sub3A_101 = arith.subf %sub3A_100, %slice3A_77 : vector<2048x1xf32>
      %mul3A_102 = arith.constant 1.000000e+01 : f32
      %mul3A_103 = vector.broadcast %mul3A_102 : f32 to vector<2048x1xf32>
      %mul3A_104 = arith.mulf %mul3A_103, %sub3A_101 : vector<2048x1xf32>
      %exp3A = math.exp %mul3A_104 : vector<2048x1xf32>
      %sub3A_105 = vector.broadcast %exp3A : vector<2048x1xf32> to vector<2048x32xf32>
      %sub3A_106 = vector.broadcast %add3A_99 : vector<1x32xf32> to vector<2048x32xf32>
      %sub3A_107 = arith.subf %sub3A_105, %sub3A_106 : vector<2048x32xf32>
      %integer_pow3A = arith.mulf %sub3A_107, %sub3A_107 : vector<2048x32xf32>
      %mul3A_108 = arith.constant -1653.55322 : f32
      %mul3A_109 = vector.broadcast %mul3A_108 : f32 to vector<2048x32xf32>
      %mul3A_110 = arith.mulf %mul3A_109, %integer_pow3A : vector<2048x32xf32>
      %exp3A_111 = math.exp %mul3A_110 : vector<2048x32xf32>
      %mul3A_112 = vector.broadcast %mul3A_91 : vector<2048x1xf32> to vector<2048x32xf32>
      %mul3A_113 = arith.mulf %exp3A_111, %mul3A_112 : vector<2048x32xf32>
      %convert_element_type3A_114 = arith.truncf %mul3A_113 : vector<2048x32xf32> to vector<2048x32xbf16>
      %get3A_115 = arith.constant 0 : index
      %get3A_116 = arith.constant 0 : index
      %get3A_117 = vector.load %arg12[%get3A_115, %get3A_116] : memref<32x384xbf16, #tpu.memory_space<vmem>>, vector<32x384xbf16>
      %dot_general3A_118 = arith.constant dense<0.000000e+00> : vector<2048x384xf32>
      %dot_general3A_119 = tpu.matmul %convert_element_type3A_114, %get3A_117, %dot_general3A_118 {dimension_numbers = #tpu.dot_dimension_numbers<[1], [0], [0], [1], [0, 0, 1, 1], [], []>, transpose_lhs_hint = false} : vector<2048x32xbf16>, vector<32x384xbf16>, vector<2048x384xf32> -> vector<2048x384xf32>
      %get3A_120 = arith.constant 0 : index
      %get3A_121 = arith.constant 0 : index
      %get3A_122 = vector.load %arg13[%get3A_120, %get3A_121] : memref<1x384xf32, #tpu.memory_space<vmem>>, vector<1x384xf32>
      %add3A_123 = vector.broadcast %get3A_122 : vector<1x384xf32> to vector<2048x384xf32>
      %add3A_124 = arith.addf %dot_general3A_119, %add3A_123 : vector<2048x384xf32>
      %mul3A_125 = vector.broadcast %mul3A_91 : vector<2048x1xf32> to vector<2048x128xf32>
      %mul3A_126 = arith.mulf %mul3A_125, %add3A_71 : vector<2048x128xf32>
      %slice3A_127 = vector.extract_strided_slice %add3A_124 {offsets = [0, 0], sizes = [2048, 128], strides = [1, 1]} : vector<2048x384xf32> to vector<2048x128xf32>
      %mul3A_128 = arith.mulf %slice3A_127, %mul3A_126 : vector<2048x128xf32>
      %slice3A_129 = vector.extract_strided_slice %add3A_124 {offsets = [0, 128], sizes = [2048, 128], strides = [1, 1]} : vector<2048x384xf32> to vector<2048x128xf32>
      %mul3A_130 = arith.mulf %slice3A_129, %mul3A_126 : vector<2048x128xf32>
      %slice3A_131 = vector.extract_strided_slice %add3A_124 {offsets = [0, 256], sizes = [2048, 128], strides = [1, 1]} : vector<2048x384xf32> to vector<2048x128xf32>
      %mul3A_132 = arith.mulf %slice3A_131, %mul3A_126 : vector<2048x128xf32>
      %div3A = arith.constant 1.000000e+00 : f32
      %div3A_133 = vector.broadcast %div3A : f32 to vector<2048x1xf32>
      %div3A_134 = arith.divf %div3A_133, %slice3A_77 : vector<2048x1xf32>
      %slice3A_135 = vector.extract_strided_slice %reshape3A_76 {offsets = [0, 1], sizes = [2048, 1], strides = [1, 1]} : vector<2048x4xf32> to vector<2048x1xf32>
      %mul3A_136 = arith.mulf %slice3A_135, %div3A_134 : vector<2048x1xf32>
      %slice3A_137 = vector.extract_strided_slice %reshape3A_76 {offsets = [0, 2], sizes = [2048, 1], strides = [1, 1]} : vector<2048x4xf32> to vector<2048x1xf32>
      %mul3A_138 = arith.mulf %slice3A_137, %div3A_134 : vector<2048x1xf32>
      %slice3A_139 = vector.extract_strided_slice %reshape3A_76 {offsets = [0, 3], sizes = [2048, 1], strides = [1, 1]} : vector<2048x4xf32> to vector<2048x1xf32>
      %mul3A_140 = arith.mulf %slice3A_139, %div3A_134 : vector<2048x1xf32>
      %mul3A_141 = arith.mulf %mul3A_136, %mul3A_136 : vector<2048x1xf32>
      %mul3A_142 = arith.mulf %mul3A_138, %mul3A_138 : vector<2048x1xf32>
      %add3A_143 = arith.addf %mul3A_141, %mul3A_142 : vector<2048x1xf32>
      %mul3A_144 = arith.mulf %mul3A_140, %mul3A_140 : vector<2048x1xf32>
      %add3A_145 = arith.addf %add3A_143, %mul3A_144 : vector<2048x1xf32>
      %mul3A_146 = arith.constant 0.333333343 : f32
      %mul3A_147 = vector.broadcast %mul3A_146 : f32 to vector<2048x1xf32>
      %mul3A_148 = arith.mulf %add3A_145, %mul3A_147 : vector<2048x1xf32>
      %mul3A_149 = vector.broadcast %mul3A_136 : vector<2048x1xf32> to vector<2048x128xf32>
      %mul3A_150 = arith.mulf %mul3A_149, %mul3A_130 : vector<2048x128xf32>
      %mul3A_151 = vector.broadcast %mul3A_138 : vector<2048x1xf32> to vector<2048x128xf32>
      %mul3A_152 = arith.mulf %mul3A_151, %mul3A_130 : vector<2048x128xf32>
      %mul3A_153 = vector.broadcast %mul3A_140 : vector<2048x1xf32> to vector<2048x128xf32>
      %mul3A_154 = arith.mulf %mul3A_153, %mul3A_130 : vector<2048x128xf32>
      %mul3A_155 = arith.mulf %mul3A_136, %mul3A_136 : vector<2048x1xf32>
      %sub3A_156 = arith.subf %mul3A_155, %mul3A_148 : vector<2048x1xf32>
      %mul3A_157 = vector.broadcast %sub3A_156 : vector<2048x1xf32> to vector<2048x128xf32>
      %mul3A_158 = arith.mulf %mul3A_157, %mul3A_132 : vector<2048x128xf32>
      %mul3A_159 = arith.mulf %mul3A_138, %mul3A_138 : vector<2048x1xf32>
      %sub3A_160 = arith.subf %mul3A_159, %mul3A_148 : vector<2048x1xf32>
      %mul3A_161 = vector.broadcast %sub3A_160 : vector<2048x1xf32> to vector<2048x128xf32>
      %mul3A_162 = arith.mulf %mul3A_161, %mul3A_132 : vector<2048x128xf32>
      %mul3A_163 = arith.mulf %mul3A_140, %mul3A_140 : vector<2048x1xf32>
      %sub3A_164 = arith.subf %mul3A_163, %mul3A_148 : vector<2048x1xf32>
      %mul3A_165 = vector.broadcast %sub3A_164 : vector<2048x1xf32> to vector<2048x128xf32>
      %mul3A_166 = arith.mulf %mul3A_165, %mul3A_132 : vector<2048x128xf32>
      %mul3A_167 = arith.mulf %mul3A_136, %mul3A_138 : vector<2048x1xf32>
      %mul3A_168 = vector.broadcast %mul3A_167 : vector<2048x1xf32> to vector<2048x128xf32>
      %mul3A_169 = arith.mulf %mul3A_168, %mul3A_132 : vector<2048x128xf32>
      %mul3A_170 = arith.mulf %mul3A_136, %mul3A_140 : vector<2048x1xf32>
      %mul3A_171 = vector.broadcast %mul3A_170 : vector<2048x1xf32> to vector<2048x128xf32>
      %mul3A_172 = arith.mulf %mul3A_171, %mul3A_132 : vector<2048x128xf32>
      %mul3A_173 = arith.mulf %mul3A_138, %mul3A_140 : vector<2048x1xf32>
      %mul3A_174 = vector.broadcast %mul3A_173 : vector<2048x1xf32> to vector<2048x128xf32>
      %mul3A_175 = arith.mulf %mul3A_174, %mul3A_132 : vector<2048x128xf32>
      %concatenate3A = tpu.concatenate %mul3A_128, %mul3A_150, %mul3A_152, %mul3A_154, %mul3A_158, %mul3A_162, %mul3A_166, %mul3A_169, %mul3A_172, %mul3A_175 in 1 : vector<2048x128xf32>, vector<2048x128xf32>, vector<2048x128xf32>, vector<2048x128xf32>, vector<2048x128xf32>, vector<2048x128xf32>, vector<2048x128xf32>, vector<2048x128xf32>, vector<2048x128xf32>, vector<2048x128xf32> -> vector<2048x1280xf32>
      %convert_element_type3A_176 = arith.truncf %concatenate3A : vector<2048x1280xf32> to vector<2048x1280xbf16>
      %swap3A_177 = arith.constant 0 : index
      %swap3A_178 = arith.constant 0 : index
      %swap3A_179 = vector.load %arg15[%swap3A_177, %swap3A_178] : memref<2048x1280xbf16, #tpu.memory_space<vmem>>, vector<2048x1280xbf16>
      tpu.vector_store %arg15[%swap3A_177, %swap3A_178], %convert_element_type3A_176 {strides = array<i32>} : memref<2048x1280xbf16, #tpu.memory_space<vmem>>, vector<2048x1280xbf16>,
    } else {
    }
    %iota3A = tpu.iota {dimensions = array<i32: 0>} : vector<128x2048xi32>
    %mul3A = arith.constant 128 : i32
    %mul3A_13 = arith.muli %get3A_0, %mul3A : i32
    %add3A = vector.broadcast %mul3A_13 : i32 to vector<128x2048xi32>
    %add3A_14 = arith.addi %iota3A, %add3A : vector<128x2048xi32>
    %eq3A_15 = vector.broadcast %reshape3A : vector<1x2048xi32> to vector<128x2048xi32>
    %eq3A_16 = arith.cmpi eq, %add3A_14, %eq3A_15 : vector<128x2048xi32>
    %eq3A_17 = arith.constant 1 : i32
    %eq3A_18 = arith.cmpi eq, %get3A_4, %eq3A_17 : i32
    %and3A = vector.broadcast %eq3A_18 : i1 to vector<128x2048xi1>
    %and3A_19 = arith.andi %eq3A_16, %and3A : vector<128x2048xi1>
    %convert_element_type3A_20 = arith.extui %and3A_19 : vector<128x2048xi1> to vector<128x2048xi32>
    %convert_element_type3A_21 = arith.sitofp %convert_element_type3A_20 : vector<128x2048xi32> to vector<128x2048xf32>
    %convert_element_type3A_22 = arith.truncf %convert_element_type3A_21 : vector<128x2048xf32> to vector<128x2048xbf16>
    %get3A_23 = arith.constant 0 : index
    %get3A_24 = arith.constant 0 : index
    %get3A_25 = vector.load %arg15[%get3A_23, %get3A_24] : memref<2048x1280xbf16, #tpu.memory_space<vmem>>, vector<2048x1280xbf16>
    %dot_general3A = arith.constant dense<0.000000e+00> : vector<128x1280xf32>
    %dot_general3A_26 = tpu.matmul %convert_element_type3A_22, %get3A_25, %dot_general3A {dimension_numbers = #tpu.dot_dimension_numbers<[1], [0], [0], [1], [0, 0, 1, 1], [], []>, transpose_lhs_hint = false} : vector<128x2048xbf16>, vector<2048x1280xbf16>, vector<128x1280xf32> -> vector<128x1280xf32>
    %eq3A_27 = arith.constant 1 : i32
    %eq3A_28 = arith.cmpi eq, %get3A_2, %eq3A_27 : i32
    %convert_element_type3A_29 = arith.extui %eq3A_28 : i1 to i32
    %cond3A_30 = arith.constant 0 : i32
    %cond3A_31 = arith.cmpi ne, %convert_element_type3A_29, %cond3A_30 : i32
    scf.if %cond3A_31 {
      %broadcast_in_dim3A = arith.constant 0.000000e+00 : f32
      %broadcast_in_dim3A_38 = vector.broadcast %broadcast_in_dim3A : f32 to vector<128x1280xf32>
      %swap3A_39 = arith.constant 0 : index
      %swap3A_40 = arith.constant 0 : index
      %swap3A_41 = vector.load %arg14[%swap3A_39, %swap3A_40] : memref<128x1280xf32, #tpu.memory_space<vmem>>, vector<128x1280xf32>
      tpu.vector_store %arg14[%swap3A_39, %swap3A_40], %broadcast_in_dim3A_38 {strides = array<i32>} : memref<128x1280xf32, #tpu.memory_space<vmem>>, vector<128x1280xf32>,
    } else {
    }
    %get3A_32 = arith.constant 0 : index
    %get3A_33 = arith.constant 0 : index
    %get3A_34 = vector.load %arg14[%get3A_32, %get3A_33] : memref<128x1280xf32, #tpu.memory_space<vmem>>, vector<128x1280xf32>
    %add3A_35 = arith.addf %get3A_34, %dot_general3A_26 : vector<128x1280xf32>
    %swap3A = arith.constant 0 : index
    %swap3A_36 = arith.constant 0 : index
    %swap3A_37 = vector.load %arg14[%swap3A, %swap3A_36] : memref<128x1280xf32, #tpu.memory_space<vmem>>, vector<128x1280xf32>
    tpu.vector_store %arg14[%swap3A, %swap3A_36], %add3A_35 {strides = array<i32>} : memref<128x1280xf32, #tpu.memory_space<vmem>>, vector<128x1280xf32>,
    return
  }
  func.func @transform_0(%arg0: i32, %arg1: memref<157xi32, #tpu.memory_space<smem>>, %arg2: memref<157xi32, #tpu.memory_space<smem>>, %arg3: memref<157xi32, #tpu.memory_space<smem>>, %arg4: memref<157xi32, #tpu.memory_space<smem>>, %arg5: memref<157xi32, #tpu.memory_space<smem>>) -> (i32, i32, i32) {
    %get3A = arith.index_cast %arg0 : i32 to index
    %get3A_0 = memref.load %arg1[%get3A] : memref<157xi32, #tpu.memory_space<smem>>
    %c0_i32 = arith.constant 0 : i32
    %c0_i32_1 = arith.constant 0 : i32
    %c0_i32_2 = arith.constant 0 : i32
    return %get3A_0, %c0_i32, %c0_i32_1 : i32, i32, i32
  }
  func.func @transform_1(%arg0: i32, %arg1: memref<157xi32, #tpu.memory_space<smem>>, %arg2: memref<157xi32, #tpu.memory_space<smem>>, %arg3: memref<157xi32, #tpu.memory_space<smem>>, %arg4: memref<157xi32, #tpu.memory_space<smem>>, %arg5: memref<157xi32, #tpu.memory_space<smem>>) -> (i32, i32, i32) {
    %get3A = arith.index_cast %arg0 : i32 to index
    %get3A_0 = memref.load %arg1[%get3A] : memref<157xi32, #tpu.memory_space<smem>>
    %c0_i32 = arith.constant 0 : i32
    %c0_i32_1 = arith.constant 0 : i32
    %c0_i32_2 = arith.constant 0 : i32
    return %get3A_0, %c0_i32, %c0_i32_1 : i32, i32, i32
  }
  func.func @transform_2(%arg0: i32, %arg1: memref<157xi32, #tpu.memory_space<smem>>, %arg2: memref<157xi32, #tpu.memory_space<smem>>, %arg3: memref<157xi32, #tpu.memory_space<smem>>, %arg4: memref<157xi32, #tpu.memory_space<smem>>, %arg5: memref<157xi32, #tpu.memory_space<smem>>) -> (i32, i32, i32) {
    %get3A = arith.index_cast %arg0 : i32 to index
    %get3A_0 = memref.load %arg1[%get3A] : memref<157xi32, #tpu.memory_space<smem>>
    %c0_i32 = arith.constant 0 : i32
    %c0_i32_1 = arith.constant 0 : i32
    %c0_i32_2 = arith.constant 0 : i32
    return %get3A_0, %c0_i32, %c0_i32_1 : i32, i32, i32
  }
  func.func @transform_3(%arg0: i32, %arg1: memref<157xi32, #tpu.memory_space<smem>>, %arg2: memref<157xi32, #tpu.memory_space<smem>>, %arg3: memref<157xi32, #tpu.memory_space<smem>>, %arg4: memref<157xi32, #tpu.memory_space<smem>>, %arg5: memref<157xi32, #tpu.memory_space<smem>>) -> (i32, i32) {
    %c0_i32 = arith.constant 0 : i32
    %c0_i32_0 = arith.constant 0 : i32
    %c0_i32_1 = arith.constant 0 : i32
    return %c0_i32, %c0_i32_0 : i32, i32
  }
  func.func @transform_4(%arg0: i32, %arg1: memref<157xi32, #tpu.memory_space<smem>>, %arg2: memref<157xi32, #tpu.memory_space<smem>>, %arg3: memref<157xi32, #tpu.memory_space<smem>>, %arg4: memref<157xi32, #tpu.memory_space<smem>>, %arg5: memref<157xi32, #tpu.memory_space<smem>>) -> (i32, i32) {
    %c0_i32 = arith.constant 0 : i32
    %c0_i32_0 = arith.constant 0 : i32
    %c0_i32_1 = arith.constant 0 : i32
    return %c0_i32, %c0_i32_0 : i32, i32
  }
  func.func @transform_5(%arg0: i32, %arg1: memref<157xi32, #tpu.memory_space<smem>>, %arg2: memref<157xi32, #tpu.memory_space<smem>>, %arg3: memref<157xi32, #tpu.memory_space<smem>>, %arg4: memref<157xi32, #tpu.memory_space<smem>>, %arg5: memref<157xi32, #tpu.memory_space<smem>>) -> (i32, i32) {
    %c0_i32 = arith.constant 0 : i32
    %c0_i32_0 = arith.constant 0 : i32
    %c0_i32_1 = arith.constant 0 : i32
    return %c0_i32, %c0_i32_0 : i32, i32
  }
  func.func @transform_6(%arg0: i32, %arg1: memref<157xi32, #tpu.memory_space<smem>>, %arg2: memref<157xi32, #tpu.memory_space<smem>>, %arg3: memref<157xi32, #tpu.memory_space<smem>>, %arg4: memref<157xi32, #tpu.memory_space<smem>>, %arg5: memref<157xi32, #tpu.memory_space<smem>>) -> (i32, i32) {
    %c0_i32 = arith.constant 0 : i32
    %c0_i32_0 = arith.constant 0 : i32
    %c0_i32_1 = arith.constant 0 : i32
    return %c0_i32, %c0_i32_0 : i32, i32
  }
  func.func @transform_7(%arg0: i32, %arg1: memref<157xi32, #tpu.memory_space<smem>>, %arg2: memref<157xi32, #tpu.memory_space<smem>>, %arg3: memref<157xi32, #tpu.memory_space<smem>>, %arg4: memref<157xi32, #tpu.memory_space<smem>>, %arg5: memref<157xi32, #tpu.memory_space<smem>>) -> (i32, i32) {
    %c0_i32 = arith.constant 0 : i32
    %c0_i32_0 = arith.constant 0 : i32
    %c0_i32_1 = arith.constant 0 : i32
    return %c0_i32, %c0_i32_0 : i32, i32
  }
  func.func @transform_8(%arg0: i32, %arg1: memref<157xi32, #tpu.memory_space<smem>>, %arg2: memref<157xi32, #tpu.memory_space<smem>>, %arg3: memref<157xi32, #tpu.memory_space<smem>>, %arg4: memref<157xi32, #tpu.memory_space<smem>>, %arg5: memref<157xi32, #tpu.memory_space<smem>>) -> (i32, i32) {
    %get3A = arith.index_cast %arg0 : i32 to index
    %get3A_0 = memref.load %arg2[%get3A] : memref<157xi32, #tpu.memory_space<smem>>
    %c0_i32 = arith.constant 0 : i32
    %c0_i32_1 = arith.constant 0 : i32
    return %get3A_0, %c0_i32 : i32, i32
  }
}

module attributes {stable_mosaic.version = 14 : i64} {
  func.func @_node_phase_block(%arg0: i32, %arg1: memref<64x10x128xf32, #tpu.memory_space<vmem>>, %arg2: memref<128x128xf32, #tpu.memory_space<vmem>>, %arg3: memref<128x128xf32, #tpu.memory_space<vmem>>, %arg4: memref<128x128xf32, #tpu.memory_space<vmem>>, %arg5: memref<128x256xf32, #tpu.memory_space<vmem>>, %arg6: memref<256xf32, #tpu.memory_space<vmem>>, %arg7: memref<256x384xf32, #tpu.memory_space<vmem>>, %arg8: memref<384xf32, #tpu.memory_space<vmem>>, %arg9: memref<128xf32, #tpu.memory_space<vmem>>, %arg10: memref<128xf32, #tpu.memory_space<vmem>>, %arg11: memref<64x9x128xf32, #tpu.memory_space<vmem>>) attributes {dimension_semantics = [#tpu.dimension_semantics<arbitrary>], iteration_bounds = array<i64: 158>, scalar_prefetch = 0 : i64, scratch_operands = 0 : i64, tpu.core_type = #tpu.core_type<tc>, window_params = [{transform_indices = @transform_0, window_bounds = array<i64: 64, 10, 128>}, {pipeline_mode = #tpu.pipeline_mode<synchronous>, transform_indices = @transform_1, window_bounds = array<i64: 128, 128>}, {pipeline_mode = #tpu.pipeline_mode<synchronous>, transform_indices = @transform_2, window_bounds = array<i64: 128, 128>}, {pipeline_mode = #tpu.pipeline_mode<synchronous>, transform_indices = @transform_3, window_bounds = array<i64: 128, 128>}, {pipeline_mode = #tpu.pipeline_mode<synchronous>, transform_indices = @transform_4, window_bounds = array<i64: 128, 256>}, {pipeline_mode = #tpu.pipeline_mode<synchronous>, transform_indices = @transform_5, window_bounds = array<i64: 256>}, {pipeline_mode = #tpu.pipeline_mode<synchronous>, transform_indices = @transform_6, window_bounds = array<i64: 256, 384>}, {pipeline_mode = #tpu.pipeline_mode<synchronous>, transform_indices = @transform_7, window_bounds = array<i64: 384>}, {pipeline_mode = #tpu.pipeline_mode<synchronous>, transform_indices = @transform_8, window_bounds = array<i64: 128>}, {pipeline_mode = #tpu.pipeline_mode<synchronous>, transform_indices = @transform_9, window_bounds = array<i64: 128>}, {transform_indices = @transform_10, window_bounds = array<i64: 64, 9, 128>}]} {
    %get3A = arith.constant 0 : index
    %get3A_0 = arith.constant 0 : index
    %get3A_1 = arith.constant 0 : index
    %get3A_2 = vector.load %arg1[%get3A, %get3A_0, %get3A_1] : memref<64x10x128xf32, #tpu.memory_space<vmem>>, vector<64x10x128xf32>
    %slice3A = vector.extract_strided_slice %get3A_2 {offsets = [0, 0, 0], sizes = [64, 1, 128], strides = [1, 1, 1]} : vector<64x10x128xf32> to vector<64x1x128xf32>
    %squeeze3A = vector.shape_cast %slice3A : vector<64x1x128xf32> to vector<64x128xf32>
    %slice3A_3 = vector.extract_strided_slice %get3A_2 {offsets = [0, 1, 0], sizes = [64, 1, 128], strides = [1, 1, 1]} : vector<64x10x128xf32> to vector<64x1x128xf32>
    %squeeze3A_4 = vector.shape_cast %slice3A_3 : vector<64x1x128xf32> to vector<64x128xf32>
    %slice3A_5 = vector.extract_strided_slice %get3A_2 {offsets = [0, 2, 0], sizes = [64, 1, 128], strides = [1, 1, 1]} : vector<64x10x128xf32> to vector<64x1x128xf32>
    %squeeze3A_6 = vector.shape_cast %slice3A_5 : vector<64x1x128xf32> to vector<64x128xf32>
    %slice3A_7 = vector.extract_strided_slice %get3A_2 {offsets = [0, 3, 0], sizes = [64, 1, 128], strides = [1, 1, 1]} : vector<64x10x128xf32> to vector<64x1x128xf32>
    %squeeze3A_8 = vector.shape_cast %slice3A_7 : vector<64x1x128xf32> to vector<64x128xf32>
    %slice3A_9 = vector.extract_strided_slice %get3A_2 {offsets = [0, 4, 0], sizes = [64, 1, 128], strides = [1, 1, 1]} : vector<64x10x128xf32> to vector<64x1x128xf32>
    %squeeze3A_10 = vector.shape_cast %slice3A_9 : vector<64x1x128xf32> to vector<64x128xf32>
    %slice3A_11 = vector.extract_strided_slice %get3A_2 {offsets = [0, 5, 0], sizes = [64, 1, 128], strides = [1, 1, 1]} : vector<64x10x128xf32> to vector<64x1x128xf32>
    %squeeze3A_12 = vector.shape_cast %slice3A_11 : vector<64x1x128xf32> to vector<64x128xf32>
    %slice3A_13 = vector.extract_strided_slice %get3A_2 {offsets = [0, 6, 0], sizes = [64, 1, 128], strides = [1, 1, 1]} : vector<64x10x128xf32> to vector<64x1x128xf32>
    %squeeze3A_14 = vector.shape_cast %slice3A_13 : vector<64x1x128xf32> to vector<64x128xf32>
    %slice3A_15 = vector.extract_strided_slice %get3A_2 {offsets = [0, 7, 0], sizes = [64, 1, 128], strides = [1, 1, 1]} : vector<64x10x128xf32> to vector<64x1x128xf32>
    %squeeze3A_16 = vector.shape_cast %slice3A_15 : vector<64x1x128xf32> to vector<64x128xf32>
    %slice3A_17 = vector.extract_strided_slice %get3A_2 {offsets = [0, 8, 0], sizes = [64, 1, 128], strides = [1, 1, 1]} : vector<64x10x128xf32> to vector<64x1x128xf32>
    %squeeze3A_18 = vector.shape_cast %slice3A_17 : vector<64x1x128xf32> to vector<64x128xf32>
    %slice3A_19 = vector.extract_strided_slice %get3A_2 {offsets = [0, 9, 0], sizes = [64, 1, 128], strides = [1, 1, 1]} : vector<64x10x128xf32> to vector<64x1x128xf32>
    %squeeze3A_20 = vector.shape_cast %slice3A_19 : vector<64x1x128xf32> to vector<64x128xf32>
    %mul3A = arith.constant 3.000000e+00 : f32
    %mul3A_21 = vector.broadcast %mul3A : f32 to vector<64x128xf32>
    %mul3A_22 = arith.mulf %mul3A_21, %squeeze3A : vector<64x128xf32>
    %mul3A_23 = arith.mulf %mul3A_22, %squeeze3A : vector<64x128xf32>
    %mul3A_24 = arith.mulf %squeeze3A_4, %squeeze3A_4 : vector<64x128xf32>
    %mul3A_25 = arith.mulf %squeeze3A_6, %squeeze3A_6 : vector<64x128xf32>
    %add3A = arith.addf %mul3A_24, %mul3A_25 : vector<64x128xf32>
    %mul3A_26 = arith.mulf %squeeze3A_8, %squeeze3A_8 : vector<64x128xf32>
    %add3A_27 = arith.addf %add3A, %mul3A_26 : vector<64x128xf32>
    %mul3A_28 = arith.constant 2.000000e+00 : f32
    %mul3A_29 = vector.broadcast %mul3A_28 : f32 to vector<64x128xf32>
    %mul3A_30 = arith.mulf %mul3A_29, %add3A_27 : vector<64x128xf32>
    %add3A_31 = arith.addf %mul3A_23, %mul3A_30 : vector<64x128xf32>
    %mul3A_32 = arith.mulf %squeeze3A_10, %squeeze3A_10 : vector<64x128xf32>
    %mul3A_33 = arith.mulf %squeeze3A_12, %squeeze3A_12 : vector<64x128xf32>
    %add3A_34 = arith.addf %mul3A_32, %mul3A_33 : vector<64x128xf32>
    %mul3A_35 = arith.mulf %squeeze3A_14, %squeeze3A_14 : vector<64x128xf32>
    %add3A_36 = arith.addf %add3A_34, %mul3A_35 : vector<64x128xf32>
    %add3A_37 = arith.addf %add3A_31, %add3A_36 : vector<64x128xf32>
    %mul3A_38 = arith.mulf %squeeze3A_16, %squeeze3A_16 : vector<64x128xf32>
    %mul3A_39 = arith.mulf %squeeze3A_18, %squeeze3A_18 : vector<64x128xf32>
    %add3A_40 = arith.addf %mul3A_38, %mul3A_39 : vector<64x128xf32>
    %mul3A_41 = arith.mulf %squeeze3A_20, %squeeze3A_20 : vector<64x128xf32>
    %add3A_42 = arith.addf %add3A_40, %mul3A_41 : vector<64x128xf32>
    %mul3A_43 = arith.constant 2.000000e+00 : f32
    %mul3A_44 = vector.broadcast %mul3A_43 : f32 to vector<64x128xf32>
    %mul3A_45 = arith.mulf %mul3A_44, %add3A_42 : vector<64x128xf32>
    %add3A_46 = arith.addf %add3A_37, %mul3A_45 : vector<64x128xf32>
    %reduce_sum3A = arith.constant dense<0.000000e+00> : vector<64xf32>
    %reduce_sum3A_47 = vector.multi_reduction <add>, %add3A_46, %reduce_sum3A [1] : vector<64x128xf32> to vector<64xf32>
    %broadcast_in_dim3A = vector.shape_cast %reduce_sum3A_47 : vector<64xf32> to vector<64x1xf32>
    %div3A = arith.constant 1.280000e+02 : f32
    %div3A_48 = vector.broadcast %div3A : f32 to vector<64x1xf32>
    %div3A_49 = arith.divf %broadcast_in_dim3A, %div3A_48 : vector<64x1xf32>
    %sub3A = vector.broadcast %div3A_49 : vector<64x1xf32> to vector<64x128xf32>
    %sub3A_50 = arith.subf %add3A_46, %sub3A : vector<64x128xf32>
    %integer_pow3A = arith.mulf %sub3A_50, %sub3A_50 : vector<64x128xf32>
    %reduce_sum3A_51 = arith.constant dense<0.000000e+00> : vector<64xf32>
    %reduce_sum3A_52 = vector.multi_reduction <add>, %integer_pow3A, %reduce_sum3A_51 [1] : vector<64x128xf32> to vector<64xf32>
    %broadcast_in_dim3A_53 = vector.shape_cast %reduce_sum3A_52 : vector<64xf32> to vector<64x1xf32>
    %div3A_54 = arith.constant 1.280000e+02 : f32
    %div3A_55 = vector.broadcast %div3A_54 : f32 to vector<64x1xf32>
    %div3A_56 = arith.divf %broadcast_in_dim3A_53, %div3A_55 : vector<64x1xf32>
    %sub3A_57 = vector.broadcast %div3A_49 : vector<64x1xf32> to vector<64x128xf32>
    %sub3A_58 = arith.subf %add3A_46, %sub3A_57 : vector<64x128xf32>
    %add3A_59 = arith.constant 9.99999974E-6 : f32
    %add3A_60 = vector.broadcast %add3A_59 : f32 to vector<64x1xf32>
    %add3A_61 = arith.addf %div3A_56, %add3A_60 : vector<64x1xf32>
    %rsqrt3A = math.rsqrt %add3A_61 : vector<64x1xf32>
    %mul3A_62 = vector.broadcast %rsqrt3A : vector<64x1xf32> to vector<64x128xf32>
    %mul3A_63 = arith.mulf %sub3A_58, %mul3A_62 : vector<64x128xf32>
    %get3A_64 = arith.constant 0 : index
    %get3A_65 = vector.load %arg9[%get3A_64] : memref<128xf32, #tpu.memory_space<vmem>>, vector<128xf32>
    %broadcast_in_dim3A_66 = vector.shape_cast %get3A_65 : vector<128xf32> to vector<1x128xf32>
    %mul3A_67 = vector.broadcast %broadcast_in_dim3A_66 : vector<1x128xf32> to vector<64x128xf32>
    %mul3A_68 = arith.mulf %mul3A_63, %mul3A_67 : vector<64x128xf32>
    %get3A_69 = arith.constant 0 : index
    %get3A_70 = vector.load %arg10[%get3A_69] : memref<128xf32, #tpu.memory_space<vmem>>, vector<128xf32>
    %broadcast_in_dim3A_71 = vector.shape_cast %get3A_70 : vector<128xf32> to vector<1x128xf32>
    %add3A_72 = vector.broadcast %broadcast_in_dim3A_71 : vector<1x128xf32> to vector<64x128xf32>
    %add3A_73 = arith.addf %mul3A_68, %add3A_72 : vector<64x128xf32>
    %get3A_74 = arith.constant 0 : index
    %get3A_75 = arith.constant 0 : index
    %get3A_76 = vector.load %arg5[%get3A_74, %get3A_75] : memref<128x256xf32, #tpu.memory_space<vmem>>, vector<128x256xf32>
    %dot_general3A = arith.constant dense<0.000000e+00> : vector<64x256xf32>
    %dot_general3A_77 = tpu.matmul %add3A_73, %get3A_76, %dot_general3A {dimension_numbers = #tpu.dot_dimension_numbers<[1], [0], [0], [1], [0, 0, 1, 1], [], []>, transpose_lhs_hint = false} : vector<64x128xf32>, vector<128x256xf32>, vector<64x256xf32> -> vector<64x256xf32>
    %get3A_78 = arith.constant 0 : index
    %get3A_79 = vector.load %arg6[%get3A_78] : memref<256xf32, #tpu.memory_space<vmem>>, vector<256xf32>
    %broadcast_in_dim3A_80 = vector.shape_cast %get3A_79 : vector<256xf32> to vector<1x256xf32>
    %add3A_81 = vector.broadcast %broadcast_in_dim3A_80 : vector<1x256xf32> to vector<64x256xf32>
    %add3A_82 = arith.addf %dot_general3A_77, %add3A_81 : vector<64x256xf32>
    %logistic3A = arith.negf %add3A_82 : vector<64x256xf32>
    %logistic3A_83 = math.exp %logistic3A : vector<64x256xf32>
    %logistic3A_84 = arith.constant 1.000000e+00 : f32
    %logistic3A_85 = vector.broadcast %logistic3A_84 : f32 to vector<64x256xf32>
    %logistic3A_86 = arith.addf %logistic3A_85, %logistic3A_83 : vector<64x256xf32>
    %logistic3A_87 = arith.divf %logistic3A_85, %logistic3A_86 : vector<64x256xf32>
    %mul3A_88 = arith.mulf %add3A_82, %logistic3A_87 : vector<64x256xf32>
    %get3A_89 = arith.constant 0 : index
    %get3A_90 = arith.constant 0 : index
    %get3A_91 = vector.load %arg7[%get3A_89, %get3A_90] : memref<256x384xf32, #tpu.memory_space<vmem>>, vector<256x384xf32>
    %dot_general3A_92 = arith.constant dense<0.000000e+00> : vector<64x384xf32>
    %dot_general3A_93 = tpu.matmul %mul3A_88, %get3A_91, %dot_general3A_92 {dimension_numbers = #tpu.dot_dimension_numbers<[1], [0], [0], [1], [0, 0, 1, 1], [], []>, transpose_lhs_hint = false} : vector<64x256xf32>, vector<256x384xf32>, vector<64x384xf32> -> vector<64x384xf32>
    %get3A_94 = arith.constant 0 : index
    %get3A_95 = vector.load %arg8[%get3A_94] : memref<384xf32, #tpu.memory_space<vmem>>, vector<384xf32>
    %broadcast_in_dim3A_96 = vector.shape_cast %get3A_95 : vector<384xf32> to vector<1x384xf32>
    %add3A_97 = vector.broadcast %broadcast_in_dim3A_96 : vector<1x384xf32> to vector<64x384xf32>
    %add3A_98 = arith.addf %dot_general3A_93, %add3A_97 : vector<64x384xf32>
    %logistic3A_99 = arith.negf %add3A_98 : vector<64x384xf32>
    %logistic3A_100 = math.exp %logistic3A_99 : vector<64x384xf32>
    %logistic3A_101 = arith.constant 1.000000e+00 : f32
    %logistic3A_102 = vector.broadcast %logistic3A_101 : f32 to vector<64x384xf32>
    %logistic3A_103 = arith.addf %logistic3A_102, %logistic3A_100 : vector<64x384xf32>
    %logistic3A_104 = arith.divf %logistic3A_102, %logistic3A_103 : vector<64x384xf32>
    %mul3A_105 = arith.mulf %add3A_98, %logistic3A_104 : vector<64x384xf32>
    %slice3A_106 = vector.extract_strided_slice %mul3A_105 {offsets = [0, 0], sizes = [64, 128], strides = [1, 1]} : vector<64x384xf32> to vector<64x128xf32>
    %slice3A_107 = vector.extract_strided_slice %mul3A_105 {offsets = [0, 128], sizes = [64, 128], strides = [1, 1]} : vector<64x384xf32> to vector<64x128xf32>
    %slice3A_108 = vector.extract_strided_slice %mul3A_105 {offsets = [0, 256], sizes = [64, 128], strides = [1, 1]} : vector<64x384xf32> to vector<64x128xf32>
    %get3A_109 = arith.constant 0 : index
    %get3A_110 = arith.constant 0 : index
    %get3A_111 = vector.load %arg2[%get3A_109, %get3A_110] : memref<128x128xf32, #tpu.memory_space<vmem>>, vector<128x128xf32>
    %get3A_112 = arith.constant 0 : index
    %get3A_113 = arith.constant 0 : index
    %get3A_114 = vector.load %arg3[%get3A_112, %get3A_113] : memref<128x128xf32, #tpu.memory_space<vmem>>, vector<128x128xf32>
    %get3A_115 = arith.constant 0 : index
    %get3A_116 = arith.constant 0 : index
    %get3A_117 = vector.load %arg4[%get3A_115, %get3A_116] : memref<128x128xf32, #tpu.memory_space<vmem>>, vector<128x128xf32>
    %dot_general3A_118 = arith.constant dense<0.000000e+00> : vector<64x128xf32>
    %dot_general3A_119 = tpu.matmul %squeeze3A, %get3A_111, %dot_general3A_118 {dimension_numbers = #tpu.dot_dimension_numbers<[1], [0], [0], [1], [0, 0, 1, 1], [], []>, transpose_lhs_hint = false} : vector<64x128xf32>, vector<128x128xf32>, vector<64x128xf32> -> vector<64x128xf32>
    %mul3A_120 = arith.mulf %dot_general3A_119, %slice3A_106 : vector<64x128xf32>
    %dot_general3A_121 = arith.constant dense<0.000000e+00> : vector<64x128xf32>
    %dot_general3A_122 = tpu.matmul %squeeze3A_4, %get3A_114, %dot_general3A_121 {dimension_numbers = #tpu.dot_dimension_numbers<[1], [0], [0], [1], [0, 0, 1, 1], [], []>, transpose_lhs_hint = false} : vector<64x128xf32>, vector<128x128xf32>, vector<64x128xf32> -> vector<64x128xf32>
    %mul3A_123 = arith.mulf %dot_general3A_122, %slice3A_107 : vector<64x128xf32>
    %dot_general3A_124 = arith.constant dense<0.000000e+00> : vector<64x128xf32>
    %dot_general3A_125 = tpu.matmul %squeeze3A_6, %get3A_114, %dot_general3A_124 {dimension_numbers = #tpu.dot_dimension_numbers<[1], [0], [0], [1], [0, 0, 1, 1], [], []>, transpose_lhs_hint = false} : vector<64x128xf32>, vector<128x128xf32>, vector<64x128xf32> -> vector<64x128xf32>
    %mul3A_126 = arith.mulf %dot_general3A_125, %slice3A_107 : vector<64x128xf32>
    %dot_general3A_127 = arith.constant dense<0.000000e+00> : vector<64x128xf32>
    %dot_general3A_128 = tpu.matmul %squeeze3A_8, %get3A_114, %dot_general3A_127 {dimension_numbers = #tpu.dot_dimension_numbers<[1], [0], [0], [1], [0, 0, 1, 1], [], []>, transpose_lhs_hint = false} : vector<64x128xf32>, vector<128x128xf32>, vector<64x128xf32> -> vector<64x128xf32>
    %mul3A_129 = arith.mulf %dot_general3A_128, %slice3A_107 : vector<64x128xf32>
    %dot_general3A_130 = arith.constant dense<0.000000e+00> : vector<64x128xf32>
    %dot_general3A_131 = tpu.matmul %squeeze3A_10, %get3A_117, %dot_general3A_130 {dimension_numbers = #tpu.dot_dimension_numbers<[1], [0], [0], [1], [0, 0, 1, 1], [], []>, transpose_lhs_hint = false} : vector<64x128xf32>, vector<128x128xf32>, vector<64x128xf32> -> vector<64x128xf32>
    %mul3A_132 = arith.mulf %dot_general3A_131, %slice3A_108 : vector<64x128xf32>
    %dot_general3A_133 = arith.constant dense<0.000000e+00> : vector<64x128xf32>
    %dot_general3A_134 = tpu.matmul %squeeze3A_12, %get3A_117, %dot_general3A_133 {dimension_numbers = #tpu.dot_dimension_numbers<[1], [0], [0], [1], [0, 0, 1, 1], [], []>, transpose_lhs_hint = false} : vector<64x128xf32>, vector<128x128xf32>, vector<64x128xf32> -> vector<64x128xf32>
    %mul3A_135 = arith.mulf %dot_general3A_134, %slice3A_108 : vector<64x128xf32>
    %dot_general3A_136 = arith.constant dense<0.000000e+00> : vector<64x128xf32>
    %dot_general3A_137 = tpu.matmul %squeeze3A_14, %get3A_117, %dot_general3A_136 {dimension_numbers = #tpu.dot_dimension_numbers<[1], [0], [0], [1], [0, 0, 1, 1], [], []>, transpose_lhs_hint = false} : vector<64x128xf32>, vector<128x128xf32>, vector<64x128xf32> -> vector<64x128xf32>
    %mul3A_138 = arith.mulf %dot_general3A_137, %slice3A_108 : vector<64x128xf32>
    %dot_general3A_139 = arith.constant dense<0.000000e+00> : vector<64x128xf32>
    %dot_general3A_140 = tpu.matmul %squeeze3A_16, %get3A_117, %dot_general3A_139 {dimension_numbers = #tpu.dot_dimension_numbers<[1], [0], [0], [1], [0, 0, 1, 1], [], []>, transpose_lhs_hint = false} : vector<64x128xf32>, vector<128x128xf32>, vector<64x128xf32> -> vector<64x128xf32>
    %mul3A_141 = arith.mulf %dot_general3A_140, %slice3A_108 : vector<64x128xf32>
    %dot_general3A_142 = arith.constant dense<0.000000e+00> : vector<64x128xf32>
    %dot_general3A_143 = tpu.matmul %squeeze3A_18, %get3A_117, %dot_general3A_142 {dimension_numbers = #tpu.dot_dimension_numbers<[1], [0], [0], [1], [0, 0, 1, 1], [], []>, transpose_lhs_hint = false} : vector<64x128xf32>, vector<128x128xf32>, vector<64x128xf32> -> vector<64x128xf32>
    %mul3A_144 = arith.mulf %dot_general3A_143, %slice3A_108 : vector<64x128xf32>
    %dot_general3A_145 = arith.constant dense<0.000000e+00> : vector<64x128xf32>
    %dot_general3A_146 = tpu.matmul %squeeze3A_20, %get3A_117, %dot_general3A_145 {dimension_numbers = #tpu.dot_dimension_numbers<[1], [0], [0], [1], [0, 0, 1, 1], [], []>, transpose_lhs_hint = false} : vector<64x128xf32>, vector<128x128xf32>, vector<64x128xf32> -> vector<64x128xf32>
    %mul3A_147 = arith.mulf %dot_general3A_146, %slice3A_108 : vector<64x128xf32>
    %add3A_148 = arith.addf %mul3A_120, %mul3A_132 : vector<64x128xf32>
    %swap3A = arith.constant 0 : index
    %swap3A_149 = arith.constant 0 : index
    %swap3A_150 = arith.constant 0 : index
    %swap3A_151 = vector.load %arg11[%swap3A, %swap3A_149, %swap3A_150] : memref<64x9x128xf32, #tpu.memory_space<vmem>>, vector<64x1x128xf32>
    %swap3A_152 = vector.shape_cast %swap3A_151 : vector<64x1x128xf32> to vector<64x128xf32>
    %swap3A_153 = vector.shape_cast %add3A_148 : vector<64x128xf32> to vector<64x1x128xf32>
    tpu.vector_store %arg11[%swap3A, %swap3A_149, %swap3A_150], %swap3A_153 {strides = array<i32>} : memref<64x9x128xf32, #tpu.memory_space<vmem>>, vector<64x1x128xf32>,
    %neg3A = arith.constant 0.000000e+00 : f32
    %neg3A_154 = vector.broadcast %neg3A : f32 to vector<64x128xf32>
    %neg3A_155 = arith.subf %neg3A_154, %mul3A_129 : vector<64x128xf32>
    %add3A_156 = arith.addf %neg3A_155, %mul3A_141 : vector<64x128xf32>
    %swap3A_157 = arith.constant 0 : index
    %swap3A_158 = arith.constant 1 : index
    %swap3A_159 = arith.constant 0 : index
    %swap3A_160 = vector.load %arg11[%swap3A_157, %swap3A_158, %swap3A_159] : memref<64x9x128xf32, #tpu.memory_space<vmem>>, vector<64x1x128xf32>
    %swap3A_161 = vector.shape_cast %swap3A_160 : vector<64x1x128xf32> to vector<64x128xf32>
    %swap3A_162 = vector.shape_cast %add3A_156 : vector<64x128xf32> to vector<64x1x128xf32>
    tpu.vector_store %arg11[%swap3A_157, %swap3A_158, %swap3A_159], %swap3A_162 {strides = array<i32>} : memref<64x9x128xf32, #tpu.memory_space<vmem>>, vector<64x1x128xf32>,
    %add3A_163 = arith.addf %mul3A_126, %mul3A_144 : vector<64x128xf32>
    %swap3A_164 = arith.constant 0 : index
    %swap3A_165 = arith.constant 2 : index
    %swap3A_166 = arith.constant 0 : index
    %swap3A_167 = vector.load %arg11[%swap3A_164, %swap3A_165, %swap3A_166] : memref<64x9x128xf32, #tpu.memory_space<vmem>>, vector<64x1x128xf32>
    %swap3A_168 = vector.shape_cast %swap3A_167 : vector<64x1x128xf32> to vector<64x128xf32>
    %swap3A_169 = vector.shape_cast %add3A_163 : vector<64x128xf32> to vector<64x1x128xf32>
    tpu.vector_store %arg11[%swap3A_164, %swap3A_165, %swap3A_166], %swap3A_169 {strides = array<i32>} : memref<64x9x128xf32, #tpu.memory_space<vmem>>, vector<64x1x128xf32>,
    %add3A_170 = arith.addf %mul3A_129, %mul3A_141 : vector<64x128xf32>
    %swap3A_171 = arith.constant 0 : index
    %swap3A_172 = arith.constant 3 : index
    %swap3A_173 = arith.constant 0 : index
    %swap3A_174 = vector.load %arg11[%swap3A_171, %swap3A_172, %swap3A_173] : memref<64x9x128xf32, #tpu.memory_space<vmem>>, vector<64x1x128xf32>
    %swap3A_175 = vector.shape_cast %swap3A_174 : vector<64x1x128xf32> to vector<64x128xf32>
    %swap3A_176 = vector.shape_cast %add3A_170 : vector<64x128xf32> to vector<64x1x128xf32>
    tpu.vector_store %arg11[%swap3A_171, %swap3A_172, %swap3A_173], %swap3A_176 {strides = array<i32>} : memref<64x9x128xf32, #tpu.memory_space<vmem>>, vector<64x1x128xf32>,
    %add3A_177 = arith.addf %mul3A_120, %mul3A_135 : vector<64x128xf32>
    %swap3A_178 = arith.constant 0 : index
    %swap3A_179 = arith.constant 4 : index
    %swap3A_180 = arith.constant 0 : index
    %swap3A_181 = vector.load %arg11[%swap3A_178, %swap3A_179, %swap3A_180] : memref<64x9x128xf32, #tpu.memory_space<vmem>>, vector<64x1x128xf32>
    %swap3A_182 = vector.shape_cast %swap3A_181 : vector<64x1x128xf32> to vector<64x128xf32>
    %swap3A_183 = vector.shape_cast %add3A_177 : vector<64x128xf32> to vector<64x1x128xf32>
    tpu.vector_store %arg11[%swap3A_178, %swap3A_179, %swap3A_180], %swap3A_183 {strides = array<i32>} : memref<64x9x128xf32, #tpu.memory_space<vmem>>, vector<64x1x128xf32>,
    %neg3A_184 = arith.constant 0.000000e+00 : f32
    %neg3A_185 = vector.broadcast %neg3A_184 : f32 to vector<64x128xf32>
    %neg3A_186 = arith.subf %neg3A_185, %mul3A_123 : vector<64x128xf32>
    %add3A_187 = arith.addf %neg3A_186, %mul3A_147 : vector<64x128xf32>
    %swap3A_188 = arith.constant 0 : index
    %swap3A_189 = arith.constant 5 : index
    %swap3A_190 = arith.constant 0 : index
    %swap3A_191 = vector.load %arg11[%swap3A_188, %swap3A_189, %swap3A_190] : memref<64x9x128xf32, #tpu.memory_space<vmem>>, vector<64x1x128xf32>
    %swap3A_192 = vector.shape_cast %swap3A_191 : vector<64x1x128xf32> to vector<64x128xf32>
    %swap3A_193 = vector.shape_cast %add3A_187 : vector<64x128xf32> to vector<64x1x128xf32>
    tpu.vector_store %arg11[%swap3A_188, %swap3A_189, %swap3A_190], %swap3A_193 {strides = array<i32>} : memref<64x9x128xf32, #tpu.memory_space<vmem>>, vector<64x1x128xf32>,
    %neg3A_194 = arith.constant 0.000000e+00 : f32
    %neg3A_195 = vector.broadcast %neg3A_194 : f32 to vector<64x128xf32>
    %neg3A_196 = arith.subf %neg3A_195, %mul3A_126 : vector<64x128xf32>
    %add3A_197 = arith.addf %neg3A_196, %mul3A_144 : vector<64x128xf32>
    %swap3A_198 = arith.constant 0 : index
    %swap3A_199 = arith.constant 6 : index
    %swap3A_200 = arith.constant 0 : index
    %swap3A_201 = vector.load %arg11[%swap3A_198, %swap3A_199, %swap3A_200] : memref<64x9x128xf32, #tpu.memory_space<vmem>>, vector<64x1x128xf32>
    %swap3A_202 = vector.shape_cast %swap3A_201 : vector<64x1x128xf32> to vector<64x128xf32>
    %swap3A_203 = vector.shape_cast %add3A_197 : vector<64x128xf32> to vector<64x1x128xf32>
    tpu.vector_store %arg11[%swap3A_198, %swap3A_199, %swap3A_200], %swap3A_203 {strides = array<i32>} : memref<64x9x128xf32, #tpu.memory_space<vmem>>, vector<64x1x128xf32>,
    %add3A_204 = arith.addf %mul3A_123, %mul3A_147 : vector<64x128xf32>
    %swap3A_205 = arith.constant 0 : index
    %swap3A_206 = arith.constant 7 : index
    %swap3A_207 = arith.constant 0 : index
    %swap3A_208 = vector.load %arg11[%swap3A_205, %swap3A_206, %swap3A_207] : memref<64x9x128xf32, #tpu.memory_space<vmem>>, vector<64x1x128xf32>
    %swap3A_209 = vector.shape_cast %swap3A_208 : vector<64x1x128xf32> to vector<64x128xf32>
    %swap3A_210 = vector.shape_cast %add3A_204 : vector<64x128xf32> to vector<64x1x128xf32>
    tpu.vector_store %arg11[%swap3A_205, %swap3A_206, %swap3A_207], %swap3A_210 {strides = array<i32>} : memref<64x9x128xf32, #tpu.memory_space<vmem>>, vector<64x1x128xf32>,
    %add3A_211 = arith.addf %mul3A_120, %mul3A_138 : vector<64x128xf32>
    %swap3A_212 = arith.constant 0 : index
    %swap3A_213 = arith.constant 8 : index
    %swap3A_214 = arith.constant 0 : index
    %swap3A_215 = vector.load %arg11[%swap3A_212, %swap3A_213, %swap3A_214] : memref<64x9x128xf32, #tpu.memory_space<vmem>>, vector<64x1x128xf32>
    %swap3A_216 = vector.shape_cast %swap3A_215 : vector<64x1x128xf32> to vector<64x128xf32>
    %swap3A_217 = vector.shape_cast %add3A_211 : vector<64x128xf32> to vector<64x1x128xf32>
    tpu.vector_store %arg11[%swap3A_212, %swap3A_213, %swap3A_214], %swap3A_217 {strides = array<i32>} : memref<64x9x128xf32, #tpu.memory_space<vmem>>, vector<64x1x128xf32>,
    return
  }
  func.func @transform_0(%arg0: i32) -> (i32, i32, i32) {
    %c0_i32 = arith.constant 0 : i32
    %c0_i32_0 = arith.constant 0 : i32
    %c0_i32_1 = arith.constant 0 : i32
    return %arg0, %c0_i32, %c0_i32_0 : i32, i32, i32
  }
  func.func @transform_1(%arg0: i32) -> (i32, i32) {
    %c0_i32 = arith.constant 0 : i32
    %c0_i32_0 = arith.constant 0 : i32
    %c0_i32_1 = arith.constant 0 : i32
    return %c0_i32, %c0_i32_0 : i32, i32
  }
  func.func @transform_2(%arg0: i32) -> (i32, i32) {
    %c0_i32 = arith.constant 0 : i32
    %c0_i32_0 = arith.constant 0 : i32
    %c0_i32_1 = arith.constant 0 : i32
    return %c0_i32, %c0_i32_0 : i32, i32
  }
  func.func @transform_3(%arg0: i32) -> (i32, i32) {
    %c0_i32 = arith.constant 0 : i32
    %c0_i32_0 = arith.constant 0 : i32
    %c0_i32_1 = arith.constant 0 : i32
    return %c0_i32, %c0_i32_0 : i32, i32
  }
  func.func @transform_4(%arg0: i32) -> (i32, i32) {
    %c0_i32 = arith.constant 0 : i32
    %c0_i32_0 = arith.constant 0 : i32
    %c0_i32_1 = arith.constant 0 : i32
    return %c0_i32, %c0_i32_0 : i32, i32
  }
  func.func @transform_5(%arg0: i32) -> i32 {
    %c0_i32 = arith.constant 0 : i32
    %c0_i32_0 = arith.constant 0 : i32
    return %c0_i32 : i32
  }
  func.func @transform_6(%arg0: i32) -> (i32, i32) {
    %c0_i32 = arith.constant 0 : i32
    %c0_i32_0 = arith.constant 0 : i32
    %c0_i32_1 = arith.constant 0 : i32
    return %c0_i32, %c0_i32_0 : i32, i32
  }
  func.func @transform_7(%arg0: i32) -> i32 {
    %c0_i32 = arith.constant 0 : i32
    %c0_i32_0 = arith.constant 0 : i32
    return %c0_i32 : i32
  }
  func.func @transform_8(%arg0: i32) -> i32 {
    %c0_i32 = arith.constant 0 : i32
    %c0_i32_0 = arith.constant 0 : i32
    return %c0_i32 : i32
  }
  func.func @transform_9(%arg0: i32) -> i32 {
    %c0_i32 = arith.constant 0 : i32
    %c0_i32_0 = arith.constant 0 : i32
    return %c0_i32 : i32
  }
  func.func @transform_10(%arg0: i32) -> (i32, i32, i32) {
    %c0_i32 = arith.constant 0 : i32
    %c0_i32_0 = arith.constant 0 : i32
    %c0_i32_1 = arith.constant 0 : i32
    return %arg0, %c0_i32, %c0_i32_0 : i32, i32, i32
  }
}

</mosaic_0001>

<sc_bundles>
// kernel: gather_offload_async_start.1
scs
__scs_entry_jumppad:
0x0: {  	(pc) =	sbr.rel $0x88, $3  }
0x1: {  	(tag) =	ssettag $0x0;
	lr =	simm.s32 $0x1  }
0x2: {  	[smem:$0x3F8B] =	sst lr;
	_ =	strace $0xD0000000  }
0x3: {  	_ = 	snop  }
0x4: {  	_ = 	snop  }
0x5: {  	_ = 	snop  }
0x6: {  	_ = 	snop  }
0x7: {  	_ = 	snop  }
__scs_overlays_trampoline_lowered:
0x8: {  	[smem:$0x3F9A] =	sst s0  }
0x9: {  	[smem:$0x3F9B] =	sst s1  }
0xa: {  	[smem:$0x3F9C] =	sst s2  }
0xb: {  	[smem:$0x3F9D] =	sst s3  }
0xc: {  	[smem:$0x3F9E] =	sst s4  }
0xd: {  	[smem:$0x3F9F] =	sst s5  }
0xe: {  	[smem:$0x3FA0] =	sst s6  }
0xf: {  	[smem:$0x3FA1] =	sst s7  }
0x10: {  	[smem:$0x3FA2] =	sst s8  }
0x11: {  	[smem:$0x3FA3] =	sst s9;
	s0 =	simm.s32 @!p0 $0x0  }
0x12: {  	s1 =	sld [smem:$0x3F89];
	s0 =	simm.s32 @p0 $0x1  }
0x13: {  	[smem:$0x3FA4] =	sst s0;
	s0 =	simm.s32 @!p1 $0x0  }
0x14: {  	s2 =	sld [smem:$0x3F88];
	s0 =	simm.s32 @p1 $0x1  }
0x15: {  	[smem:$0x3FA5] =	sst s0;
	s0 =	simm.s32 @!p2 $0x0  }
0x16: {  	s3 =	sld [smem:$0x3FDB];
	s0 =	simm.s32 @p2 $0x1  }
0x17: {  	s4 =	simm.s32 $0x1BF5;
	[smem:$0x3FA7] =	sst s0  }
0x18: {  	s0 =	sld [smem:$0x3F8A];
	_ =	swait.ge [sflag:s4], $0x0  }
0x19: {  	s7 =	sld [smem:$0x3F8B]  }
0x1a: {  	s8 =	sadd.s32 $0xFFFFE003, lr  }
0x1b: {  	s9 =	sadd.s32 $0xFFFFFEF7, lr;
	s5 =	simm.s32 $0xFFFFFFFF;
	p2 =	slt.u32 s8, $0xFFFFF086  }
0x1c: {  	p1 =	slt.u32 s9, $0xF7A;
	s5 =	simm.s32 @!p2 $0x0  }
0x1d: {  	s5 =	simm.s32 @p1 $0x1;
	p0 =	seq.s32 s7, s2  }
0x1e: {  	s7 =	smul.u32 @!p0 $0xF7A, s2;
	p2 =	seq.s32 @!p0 s5, $0x0  }
0x1f: {  	s9 =	smul.u32 $0xF7A, s1;
	s8 =	simm.s32 @!p0 $0x1BF5;
	p2 =	por !p2, p0  }
0x20: {  	[sflag:s8] =	ssyncset.s32 @!p0 $0xFFFFF086;
	s6 =	sadd.s32 @!p0 s3, s7;
	s7 =	simm.s32 @!p0 $0x108  }
0x21: {  	s3 =	sadd.s32 s3, s9;
	s6 =	sadd.s32 @!p0 $0x88, s6;
	s7 =	simm.s32 @p2 $0x1082  }
0x22: {  	[simem:s7], [sflag:s8] =	dma.local @!p0 [hbm:s6], $0xF7A  }
0x23: {  	s9 =	sor.u32 $0xD0000000, s2;
	s6 =	simm.s32 $0x108;
	_ =	swait.ge @!p0 [sflag:s8], $0x0  }
0x24: {  	s3 =	sadd.s32 $0x88, s3;
	s6 =	simm.s32 @!p1 $0x1082;
	[sflag:s4] =	ssyncset.s32 $0xFFFFF086  }
0x25: {  	[simem:s6], [sflag:s4] =	dma.local [hbm:s3], $0xF7A  }
0x26: {  	[smem:$0x3F8B] =	sst s1;
	(tag) =	ssettag s2;
	_ =	strace s9  }
0x27: {  	s1 =	sld [smem:$0x3F9B]  }
0x28: {  	s2 =	sld [smem:$0x3F9C]  }
0x29: {  	s4 =	sld [smem:$0x3F9E]  }
0x2a: {  	p0 =	seq.s32 s5, $0x0;
	s5 =	sld [smem:$0x3F9F]  }
0x2b: {  	s6 =	sld [smem:$0x3FA0]  }
0x2c: {  	s7 =	sld [smem:$0x3FA1]  }
0x2d: {  	s3 =	simm.s32 $0x108;
	s8 =	sld [smem:$0x3FA2]  }
0x2e: {  	s3 =	simm.s32 @!p0 $0x1082;
	s9 =	sld [smem:$0x3FA3]  }
0x2f: {  	lr =	sadd.s32 s0, s3;
	s0 =	sld [smem:$0x3F9A]  }
0x30: {  	s3 =	sld [smem:$0x3F9D]  }
0x31: {  	[smem:$0x3FA6] =	sst s10  }
0x32: {  	s10 =	sld [smem:$0x3FA4];
	_ =	sdelay $0x3  }
0x33: {  	p0 =	seq.s32 s10, $0x1;
	s10 =	sld [smem:$0x3FA6];
	_ =	sdelay $0x3  }
0x34: {  	[smem:$0x3FA6] =	sst s10  }
0x35: {  	s10 =	sld [smem:$0x3FA5];
	_ =	sdelay $0x3  }
0x36: {  	p1 =	seq.s32 s10, $0x1;
	s10 =	sld [smem:$0x3FA6];
	_ =	sdelay $0x3  }
0x37: {  	[smem:$0x3FA6] =	sst s10  }
0x38: {  	s10 =	sld [smem:$0x3FA7]  }
0x39: {  	_ = 	snop;
	(pc) =	sbr.ind lr, $3  }
0x3a: {  	_ = 	snop  }
0x3b: {  	_ = 	snop  }
0x3c: {  	p2 =	seq.s32 s10, $0x1;
	s10 =	sld [smem:$0x3FA6]  }
0x3d: {  	_ =	shalt  }
0x3e: {  	_ =	shalt  }
0x3f: {  	_ =	shalt  }
0x40: {  	_ =	shalt  }
0x41: {  	_ =	shalt  }
0x42: {  	_ =	shalt  }
0x43: {  	_ =	shalt  }
0x44: {  	_ =	shalt  }
0x45: {  	_ =	shalt  }
0x46: {  	_ =	shalt  }
0x47: {  	_ =	shalt  }
0x48: {  	_ =	shalt  }
0x49: {  	_ =	shalt  }
0x4a: {  	_ =	shalt  }
0x4b: {  	_ =	shalt  }
0x4c: {  	_ =	shalt  }
0x4d: {  	_ =	shalt  }
0x4e: {  	_ =	shalt  }
0x4f: {  	_ =	shalt  }
0x50: {  	_ =	shalt  }
0x51: {  	_ =	shalt  }
0x52: {  	_ =	shalt  }
0x53: {  	_ =	shalt  }
0x54: {  	_ =	shalt  }
0x55: {  	_ =	shalt  }
0x56: {  	_ =	shalt  }
0x57: {  	_ =	shalt  }
0x58: {  	_ =	shalt  }
0x59: {  	_ =	shalt  }
0x5a: {  	_ =	shalt  }
0x5b: {  	_ =	shalt  }
0x5c: {  	_ =	shalt  }
0x5d: {  	_ =	shalt  }
0x5e: {  	_ =	shalt  }
0x5f: {  	_ =	shalt  }
0x60: {  	_ =	shalt  }
0x61: {  	_ =	shalt  }
0x62: {  	_ =	shalt  }
0x63: {  	_ =	shalt  }
0x64: {  	_ =	shalt  }
0x65: {  	_ =	shalt  }
0x66: {  	_ =	shalt  }
0x67: {  	_ =	shalt  }
0x68: {  	_ =	shalt  }
0x69: {  	_ =	shalt  }
0x6a: {  	_ =	shalt  }
0x6b: {  	_ =	shalt  }
0x6c: {  	_ =	shalt  }
0x6d: {  	_ =	shalt  }
0x6e: {  	_ =	shalt  }
0x6f: {  	_ =	shalt  }
0x70: {  	_ =	shalt  }
0x71: {  	_ =	shalt  }
0x72: {  	_ =	shalt  }
0x73: {  	_ =	shalt  }
0x74: {  	_ =	shalt  }
0x75: {  	_ =	shalt  }
0x76: {  	_ =	shalt  }
0x77: {  	_ =	shalt  }
0x78: {  	_ =	shalt  }
0x79: {  	_ =	shalt  }
0x7a: {  	_ =	shalt  }
0x7b: {  	_ =	shalt  }
0x7c: {  	_ =	shalt  }
0x7d: {  	_ =	shalt  }
0x7e: {  	_ =	shalt  }
0x7f: {  	_ =	shalt  }
0x80: {  	_ =	shalt  }
0x81: {  	_ =	shalt  }
0x82: {  	_ =	shalt  }
0x83: {  	_ =	shalt  }
0x84: {  	_ =	shalt  }
0x85: {  	_ =	shalt  }
0x86: {  	_ =	shalt  }
0x87: {  	_ =	shalt  }
.Lfunc_end0:
.L_simem_size_0:
called_computation.2_lowered:
.L_overlay_start_0:
0x88: {  	s2 =	sld [smem:$0x3FD9]  }
0x89: {  	s3 =	sld [smem:$0x3FFE];
	_ =	sdelay $0x1  }
0x8a: {  	s1 =	srdreg.scid  }
0x8b: {  	s0 =	sand.u32 $0x1, s1  }
0x8c: {  	s16 =	sshll.u32 s0, $0xA;
	s2 =	sadd.s32 s3, s2  }
0x8d: {  	s2 =	sadd.s32 s2, s16  }
0x8e: {  	[smem:$0x3FB2] =	sst s2  }
0x8f: {  	_ = 	snop  }
0x90: {  	(tm) =	ssettm $0x1  }
0x91: {  	s17 =	sld [smem:$0x3FFB];
	_ =	sdelay $0x3  }
0x92: {  	_ =	strace s17  }
0x93: {  	s2 =	sld [smem:$0x3FFC];
	_ =	sdelay $0x3  }
0x94: {  	_ =	strace s2  }
0x95: {  	s2 =	sld [smem:$0x3FFD];
	_ =	sdelay $0x3  }
0x96: {  	_ =	strace s2  }
0x97: {  	_ =	strace $0x8FFFFFFF  }
0x98: {  	s18 =	sld [smem:$0x3FDB];
	_ =	sdelay $0x1  }
0x99: {  	s19 =	simm.s32 $_scs_section_size  }
0x9a: {  	s4 =	simm.s32 $_size__tile_overlayer_lowered;
	s5 =	simm.s32 $_tile_overlayer_lowered  }
0x9b: {  	s22 =	simm.s32 $0x1BFF;
	s21 =	sshll.u32 s5, $0x1;
	s2 =	sadd.s32 s19, s18  }
0x9c: {  	s6 =	simm.s32 $0x0;
	s20 =	sshll.u32 s4, $0x1;
	s4 =	sadd.s32 s21, s2  }
0x9d: {  	[timem:s6], [sflag:s22] =	dma.local [hbm:s4], s20  }
0x9e: {  	_ =	swait.ge [sflag:s22], s20  }
0x9f: {  	s3 =	ssub.s32 $0x0, s20;
	[sflag:s22] =	ssyncset.done $0x0  }
0xa0: {  	[sflag:s22] =	ssyncadd.s32 s3;
	_ =	sdelay $0x1  }
0xa1: {  	s23 =	simm.s32 $0x1B8B  }
0xa2: {  	_ =	swait.ge [sflag:s23], $0x1  }
0xa3: {  	[sflag:s23] =	ssyncset.done $0x0  }
0xa4: {  	s25 =	simm.s32 $0x1B8E;
	s24 =	sld [smem:$0x3FFE];
	[sflag:s23] =	ssyncadd.s32 $0xFFFFFFFF  }
0xa5: {  	s26 =	simm.s32 $execute0_lowered;
	[smem:$0x3FD2] =	sst s25  }
0xa6: {  	s4 =	sshll.u32 s26, $0x1;
	_ =	strace $0x80000049;
	[dreg:$0x1] =	wrdreg $0xFFFFFFFF  }
0xa7: {  	s28 =	simm.s32 $_size_execute0_lowered;
	s2 =	sadd.s32 s2, s4;
	[dreg:$0x0] =	wrdreg $0x0  }
0xa8: {  	s4 =	sshll.u32 s28, $0x1;
	[dreg:$0x2] =	wrdreg s2  }
0xa9: {  	[dreg:$0x3] =	wrdreg s4  }
0xaa: {  	[dreg:$0x4] =	wrdreg $0xC0  }
0xab: {  	_ =	task [dreg:s6], $0x5FFFF  }
0xac: {  	[dreg:$0x1] =	wrdreg $0xFFFFFFFF  }
0xad: {  	[dreg:$0x0] =	wrdreg $0x60  }
0xae: {  	[dreg:$0x2] =	wrdreg s24  }
0xaf: {  	[dreg:$0x3] =	wrdreg $0x9  }
0xb0: {  	_ =	task.clear_ibuf [dreg:s6], $0x4FFFF;
	_ =	strace $0x90000049  }
0xb1: {  	s29 =	simm.s32 $0x9;
	_ =	strace $0x8000004B  }
0xb2: {  	_ =	swait.ge [sflag:s29], $0x1  }
0xb3: {  	[sflag:s29] =	ssyncadd.s32 $0xFFFFFFFF  }
0xb4: {  	_ =	strace $0x9000004B  }
0xb5: {  	_ =	sfence  }
0xb6: {  	s30 =	sld [smem:$0x0];
	_ =	sdelay $0x2  }
0xb7: {  	s31 =	sshll.u32 s1, $0xD;
	s1 =	sshrl.u32 s1, $0x2  }
0xb8: {  	s3 =	sand.u32 $0x4000, s31;
	s1 =	sadd.s32 s1, s30  }
0xb9: {  	s0 =	sor.u32 s3, s0;
	s1 =	sshll.u32 s1, $0x11  }
0xba: {  	s0 =	sor.u32 s1, s0  }
0xbb: {  	s0 =	sadd.s32 $0x8F2B, s0  }
0xbc: {  	[sflag:s0] =	ssyncadd.remote.s32 $0x1  }
0xbd: {  	_ =	sfence.sel $0xFFFF  }
0xbe: {  	[dreg:$0x0] =	wrdreg $0xFFFFFFFF;
	(pc) =	sbr.abs _section_cstart, $3  }
0xbf: {  	[dreg:$0x1] =	wrdreg $0xFFFFFFFF  }
0xc0: {  	_ =	task.clear_ibuf [dreg:s6], $0x2FFFF;
	_ =	strace $0x9FFFFFFF  }
0xc1: {  	(tm) =	ssettm $0x7FFFFFFF  }
tec
execute0_lowered:
.L_overlay_start_1:
0x0: {  	(tag) =	ssettag $0x1  }
0x1: {  	s0 =	srdreg.scid  }
0x2: {  	s1 =	sshll.u32 s0, $0x4  }
0x3: {  	s0 =	stileid.u32;
	s1 =	sand.u32 $0x10, s1  }
0x4: {  	s1 =	sor.u32 s0, s1  }
0x5: {  	s2 =	smul.u32 $0xF, s1  }
0x6: {  	s3 =	smin.u32 s1, $0x14  }
0x7: {  	s2 =	sadd.s32 s3, s2  }
0x8: {  	p0 =	slt.u32 s1, $0x14;
	s1 =	simm.s32 $0x1400;
	s2 =	smul.u32 $0x140, s2  }
0x9: {  	s1 =	simm.s32 @!p0 $0x12C0  }
0xa: {  	s1 =	sadd.s32 s1, s2  }
0xb: {  	s3 =	smin.u32 s1, $0x27100  }
0xc: {  	s7 =	ssub.s32 s3, s2  }
0xd: {  	p0 =	sgt.s32 s7, $0x0  }
0xe: {  	s7 =	simm.s32 @!p0 $0x0  }
0xf: {  	s4 =	smulhi.u32 $0x66666667, s7  }
0x10: {  	s9 =	rddreg [dreg:$0x0];
	s6 =	simm.s32 $0x1;
	s11 =	simm.s32 $0x3  }
0x11: {  	s13 =	simm.s32 $0x0;
	s12 =	simm.s32 $0x0;
	s8 =	sshrl.u32 s4, $0x7  }
0x12: {  	s1 =	rddreg [dreg:$0x1];
	_ =	strace $0x8000004A;
	s10 =	smul.u32 $0x140, s8  }
.Ltmp0:
0x13: {  	s5 =	sadd.s32 $0xB400, s9;
	[sflag:s6] =	ssyncpa.u1 $0x0;
	(pc) =	sbr.rel .LBB2_1-.Ltmp0, $4  }
0x14: {  	s4 =	sadd.s32 $0x288400, s9;
	p0 =	sne.s32 s7, s10;
	s10 =	simm.s32 $0x1  }
0x15: {  	s9 =	sadd.s32 $0x774C00, s9;
	s7 =	simm.s32 $0x2;
	s10 =	simm.s32 @!p0 $0x0  }
0x16: {  	[sflag:s7] =	ssyncpa.u1 $0x0;
	p0 =	por $0x0, $0x0;
	s8 =	sadd.s32 s10, s8  }
0x17: {  	vm0 =	vmmov $0xff;
	vm1 =	vcmask $0x3F20;
	[sflag:s11] =	ssyncpa.u1 $0x0;
	s11 =	smov.u32 s2;
	s10 =	sadd.s32 $0x1, s8  }
.LBB2_6:
0x18: {  	[hbm:s17] =	stream.linear.scatter [tilespmem:s14], [sflag:$0x3], $0x400, $0x38;
	[tilespmem:$0x14280] =	vst v63  }
.LBB2_7:
0x19: {  	s13 =	sadd.s32 $0x140, s11  }
0x1a: {  	s15 =	smov.u32 s2;
	p2 =	slt.s32 s13, s3  }
0x1b: {  	s15 =	smov.u32 @p2 s13;
	p2 =	sne.s32 s12, s10  }
.Ltmp1:
0x1c: {  	p1 =	slt.u32 s12, $0x2;
	(pc) =	sbr.rel @!p2 .LBB2_8-.Ltmp1, $4  }
0x1d: {  	s14 =	simm.s32 @!p1 $0x3  }
0x1e: {  	s16 =	sadd.s32 $0x1, s12;
	_ =	swait.ge @!p1 [sflag:s14], $0xA000  }
0x1f: {  	p0 =	por !p0, !p0;
	s13 =	smov.u32 s11;
	[sflag:s14] =	ssyncset.done @!p1 $0x0  }
0x20: {  	s12 =	smov.u32 s16;
	s11 =	smov.u32 s15;
	[sflag:s14] =	ssyncadd.s32 @!p1 $0xFFFF6000  }
.LBB2_1:
0x21: {  	p1 =	sge.u32 s12, s8  }
0x22: {  	s14 =	sxor.u32 @!p1 $0xFFFFFFFF, s12  }
0x23: {  	s14 =	sand.u32 @!p1 $0x1, s14  }
0x24: {  	s14 =	smul.u32 @!p1 $0x500, s14  }
0x25: {  	s31 =	sadd.s32 $0xFFFFFFFF, s12;
	s15 =	sshrl.u32 @!p1 s11, $0x3  }
0x26: {  	s16 =	sand.u32 @!p1 $0x7, s11;
	s15 =	sadd.s32 @!p1 s5, s15;
	s14 =	sshrl.u32 @!p1 s14, $0x2  }
0x27: {  	[tilespmem:s14], [sflag:$0x2] =	stream.linear.gather @!p1 [hbm4b:s15+s16], $0x140, $0x38;
	[tilespmem:$0x14280] =	vst v63  }
0x28: {  	p1 =	sge.u32 s31, s8  }
.Ltmp2:
0x29: {  	_ = 	snop;
	(pc) =	sbr.rel @p1 .LBB2_7-.Ltmp2, $1  }
0x2a: {  	_ =	sdelay $0x3  }
0x2b: {  	s14 =	simm.s32 $0x1  }
0x2c: {  	s14 =	simm.s32 @!p0 $0x0  }
0x2d: {  	s15 =	smul.u32 $0x500, s14  }
0x2e: {  	_ =	swait.ge [sflag:s7], $0x140  }
0x2f: {  	[sflag:s7] =	ssyncset.done $0x0;
	s16 =	sshrl.u32 s15, $0x2  }
0x30: {  	[sflag:s7] =	ssyncadd.s32 $0xFFFFFEC0;
	s15 =	sadd.s32 $0x0, s16  }
0x31: {  	v0 =	vld.msk [tilespmem:s15+$0x0 ss:$0x1], $0xffff;
	_ =	sdelay $0x4  }
0x32: {  	vm2 =	vgt.s32 v0, $0x0  }
0x33: {  	v0 =	vnsel vm2, $0x0, v0  }
0x34: {  	v0 =	vmin.u32 v0, $0x270FF  }
0x35: {  	v0 =	vshll.u32 v0, $0x4  }
0x36: {  	s14 =	smul.u32 $0x28000, s14;
	_ =	sdelay $0x1  }
0x37: {  	s14 =	sshrl.u32 s14, $0x2  }
0x38: {  	s14 =	sor.u32 $0x280, s14  }
0x39: {  	[tilespmem:s14], [sflag:$0x1] =	stream.indirect_vreg.gather [hbm:s4], $0x80, v0, vm0, $0x38;
	[tilespmem:$0x14280] =	vst v63  }
0x3a: {  	s17 =	sadd.s32 $0x10, s16;
	s15 =	sadd.s32 $0x400, s14  }
0x3b: {  	[tilespmem:s15], [sflag:$0x1] =	stream.indirect_vreg.gather [hbm:s4], $0x80, v0, vm1, $0x38;
	[tilespmem:$0x14280] =	vst v63  }
0x3c: {  	s18 =	simm.s32 $0x80;
	v0 =	vld.msk [tilespmem:s17+$0x0 ss:$0x1], $0xffff;
	s17 =	smov.u32 s14  }
.LBB2_3:
0x3d: {  	p1 =	sne.s32 s18, $0x4C0;
	_ =	sdelay $0x4  }
0x3e: {  	vm2 =	vgt.s32 v0, $0x0  }
0x3f: {  	v0 =	vnsel vm2, $0x0, v0  }
0x40: {  	v0 =	vmin.u32 v0, $0x270FF  }
0x41: {  	v0 =	vshll.u32 v0, $0x4;
	_ =	sdelay $0x3  }
.Ltmp3:
0x42: {  	s19 =	sshra.s32 s18, $0x2;
	s17 =	sadd.s32 $0x800, s17;
	(pc) =	sbr.rel @p1 .LBB2_3-.Ltmp3, $4  }
0x43: {  	[tilespmem:s17], [sflag:$0x1] =	stream.indirect_vreg.gather [hbm:s4], $0x80, v0, vm0, $0x38;
	[tilespmem:$0x14280] =	vst v63  }
0x44: {  	s19 =	sadd.s32 s19, s16;
	s20 =	sadd.s32 $0x400, s17  }
0x45: {  	[tilespmem:s20], [sflag:$0x1] =	stream.indirect_vreg.gather [hbm:s4], $0x80, v0, vm1, $0x38;
	[tilespmem:$0x14280] =	vst v63  }
0x46: {  	s18 =	sadd.s32 $0x40, s18;
	v0 =	vld.msk [tilespmem:s19+$0x0 ss:$0x1], $0xffff  }
0x47: {  	_ =	sdelay $0x3  }
0x48: {  	vm2 =	vgt.s32 v0, $0x0  }
0x49: {  	v0 =	vnsel vm2, $0x0, v0  }
0x4a: {  	v0 =	vmin.u32 v0, $0x270FF  }
0x4b: {  	v0 =	vshll.u32 v0, $0x4;
	_ =	sdelay $0x3  }
0x4c: {  	s16 =	sadd.s32 $0x800, s17  }
0x4d: {  	[tilespmem:s16], [sflag:$0x1] =	stream.indirect_vreg.gather [hbm:s4], $0x80, v0, vm0, $0x38;
	[tilespmem:$0x14280] =	vst v63  }
0x4e: {  	s16 =	sadd.s32 $0x400, s16  }
0x4f: {  	[tilespmem:s16], [sflag:$0x1] =	stream.indirect_vreg.gather [hbm:s4], $0x80, v0, vm1, $0x38;
	[tilespmem:$0x14280] =	vst v63  }
0x50: {  	s13 =	sshll.u32 s13, $0x4;
	_ =	swait.ge [sflag:s6], $0xA000  }
0x51: {  	s13 =	sadd.s32 s13, s9;
	[sflag:s6] =	ssyncset.done $0x0  }
0x52: {  	s17 =	sadd.s32 $0x0, s13;
	s16 =	simm.s32 $0x80;
	[sflag:s6] =	ssyncadd.s32 $0xFFFF6000  }
.LBB2_5:
0x53: {  	[hbm:s17] =	stream.linear.scatter [tilespmem:s14], [sflag:$0x3], $0x400, $0x38;
	[tilespmem:$0x14280] =	vst v63  }
0x54: {  	s17 =	smov.u32 s16;
	s14 =	smov.u32 s15;
	p1 =	sne.s32 s16, $0x1380  }
.Ltmp4:
0x55: {  	s16 =	sadd.s32 $0x80, s16;
	(pc) =	sbr.rel @p1 .LBB2_5-.Ltmp4, $2  }
0x56: {  	_ =	sdelay $0x2  }
0x57: {  	s15 =	sadd.s32 $0x400, s15;
	s17 =	sadd.s32 s17, s13  }
.Ltmp5:
0x58: {  	_ = 	snop;
	(pc) =	sbr.rel .LBB2_6-.Ltmp5, $1  }
0x59: {  	_ =	sdelay $0x3  }
.LBB2_8:
0x5a: {  	_ =	sfence.sel $0x180000  }
0x5b: {  	s2 =	simm.s32 $0x2;
	[bflag:$0x0] =	sbarrier.arrive $0xFFFF  }
0x5c: {  	s30 =	simm.s32 $0x3;
	[sflag:s2] =	ssyncpa.u1 $0x1  }
0x5d: {  	s31 =	simm.s32 $0x1;
	[sflag:s30] =	ssyncpa.u1 $0x1  }
0x5e: {  	[sflag:s31] =	ssyncpa.u1 $0x1  }
0x5f: {  	p0 =	sne.s32 s0, $0x0;
	_ =	strace $0x9000004A  }
0x60: {  	s0 =	sadd.s32 @!p0 $0x100000, s1;
	[bflag:$0x2] =	sbarrier.arrive $0xFFFF  }
0x61: {  	[sflag:s0] =	ssyncadd.tile.s32 @!p0 $0x1;
	_ =	shalt  }
.Lfunc_end2:
_tile_overlayer_lowered:
.L_overlay_start_2:
0x62: {  	(tag) =	ssettag $0x2  }
0x63: {  	s0 =	rddreg [dreg:$0x0];
	s2 =	stileid.u32  }
0x64: {  	s1 =	rddreg [dreg:$0x1];
	p0 =	sne.s32 s2, $0x0  }
0x65: {  	s3 =	rddreg [dreg:$0x2];
	[bflag:$0x3] =	sbarrier.arrive $0xFFFF;
	s2 =	simm.s32 @!p0 $0x1C01  }
0x66: {  	[timem:s3], [sflag:s2] =	dma.local @!p0 [hbm:s0], s1  }
0x67: {  	s0 =	simm.s32 @!p0 $0x1  }
0x68: {  	_ =	swait.ge @!p0 [sflag:s0], s1  }
0x69: {  	s1 =	ssub.s32 @!p0 $0x0, s1;
	[sflag:s0] =	ssyncset.done @!p0 $0x0  }
0x6a: {  	[sflag:s0] =	ssyncadd.s32 @!p0 s1  }
0x6b: {  	[bflag:$0x3] =	sbarrier.arrive $0xFFFF  }
0x6c: {  	_ =	shalt  }

// kernel: gather_offload_async_start
scs
__scs_entry_jumppad:
0x0: {  	(pc) =	sbr.rel $0x88, $3  }
0x1: {  	(tag) =	ssettag $0x0;
	lr =	simm.s32 $0x1  }
0x2: {  	[smem:$0x3F8B] =	sst lr;
	_ =	strace $0xD0000000  }
0x3: {  	_ = 	snop  }
0x4: {  	_ = 	snop  }
0x5: {  	_ = 	snop  }
0x6: {  	_ = 	snop  }
0x7: {  	_ = 	snop  }
__scs_overlays_trampoline_lowered:
0x8: {  	[smem:$0x3F9A] =	sst s0  }
0x9: {  	[smem:$0x3F9B] =	sst s1  }
0xa: {  	[smem:$0x3F9C] =	sst s2  }
0xb: {  	[smem:$0x3F9D] =	sst s3  }
0xc: {  	[smem:$0x3F9E] =	sst s4  }
0xd: {  	[smem:$0x3F9F] =	sst s5  }
0xe: {  	[smem:$0x3FA0] =	sst s6  }
0xf: {  	[smem:$0x3FA1] =	sst s7  }
0x10: {  	[smem:$0x3FA2] =	sst s8  }
0x11: {  	[smem:$0x3FA3] =	sst s9;
	s0 =	simm.s32 @!p0 $0x0  }
0x12: {  	s1 =	sld [smem:$0x3F89];
	s0 =	simm.s32 @p0 $0x1  }
0x13: {  	[smem:$0x3FA4] =	sst s0;
	s0 =	simm.s32 @!p1 $0x0  }
0x14: {  	s2 =	sld [smem:$0x3F88];
	s0 =	simm.s32 @p1 $0x1  }
0x15: {  	[smem:$0x3FA5] =	sst s0;
	s0 =	simm.s32 @!p2 $0x0  }
0x16: {  	s3 =	sld [smem:$0x3FDB];
	s0 =	simm.s32 @p2 $0x1  }
0x17: {  	s4 =	simm.s32 $0x1BF5;
	[smem:$0x3FA7] =	sst s0  }
0x18: {  	s0 =	sld [smem:$0x3F8A];
	_ =	swait.ge [sflag:s4], $0x0  }
0x19: {  	s7 =	sld [smem:$0x3F8B]  }
0x1a: {  	s8 =	sadd.s32 $0xFFFFE003, lr  }
0x1b: {  	s9 =	sadd.s32 $0xFFFFFEF7, lr;
	s5 =	simm.s32 $0xFFFFFFFF;
	p2 =	slt.u32 s8, $0xFFFFF086  }
0x1c: {  	p1 =	slt.u32 s9, $0xF7A;
	s5 =	simm.s32 @!p2 $0x0  }
0x1d: {  	s5 =	simm.s32 @p1 $0x1;
	p0 =	seq.s32 s7, s2  }
0x1e: {  	s7 =	smul.u32 @!p0 $0xF7A, s2;
	p2 =	seq.s32 @!p0 s5, $0x0  }
0x1f: {  	s9 =	smul.u32 $0xF7A, s1;
	s8 =	simm.s32 @!p0 $0x1BF5;
	p2 =	por !p2, p0  }
0x20: {  	[sflag:s8] =	ssyncset.s32 @!p0 $0xFFFFF086;
	s6 =	sadd.s32 @!p0 s3, s7;
	s7 =	simm.s32 @!p0 $0x108  }
0x21: {  	s3 =	sadd.s32 s3, s9;
	s6 =	sadd.s32 @!p0 $0x88, s6;
	s7 =	simm.s32 @p2 $0x1082  }
0x22: {  	[simem:s7], [sflag:s8] =	dma.local @!p0 [hbm:s6], $0xF7A  }
0x23: {  	s9 =	sor.u32 $0xD0000000, s2;
	s6 =	simm.s32 $0x108;
	_ =	swait.ge @!p0 [sflag:s8], $0x0  }
0x24: {  	s3 =	sadd.s32 $0x88, s3;
	s6 =	simm.s32 @!p1 $0x1082;
	[sflag:s4] =	ssyncset.s32 $0xFFFFF086  }
0x25: {  	[simem:s6], [sflag:s4] =	dma.local [hbm:s3], $0xF7A  }
0x26: {  	[smem:$0x3F8B] =	sst s1;
	(tag) =	ssettag s2;
	_ =	strace s9  }
0x27: {  	s1 =	sld [smem:$0x3F9B]  }
0x28: {  	s2 =	sld [smem:$0x3F9C]  }
0x29: {  	s4 =	sld [smem:$0x3F9E]  }
0x2a: {  	p0 =	seq.s32 s5, $0x0;
	s5 =	sld [smem:$0x3F9F]  }
0x2b: {  	s6 =	sld [smem:$0x3FA0]  }
0x2c: {  	s7 =	sld [smem:$0x3FA1]  }
0x2d: {  	s3 =	simm.s32 $0x108;
	s8 =	sld [smem:$0x3FA2]  }
0x2e: {  	s3 =	simm.s32 @!p0 $0x1082;
	s9 =	sld [smem:$0x3FA3]  }
0x2f: {  	lr =	sadd.s32 s0, s3;
	s0 =	sld [smem:$0x3F9A]  }
0x30: {  	s3 =	sld [smem:$0x3F9D]  }
0x31: {  	[smem:$0x3FA6] =	sst s10  }
0x32: {  	s10 =	sld [smem:$0x3FA4];
	_ =	sdelay $0x3  }
0x33: {  	p0 =	seq.s32 s10, $0x1;
	s10 =	sld [smem:$0x3FA6];
	_ =	sdelay $0x3  }
0x34: {  	[smem:$0x3FA6] =	sst s10  }
0x35: {  	s10 =	sld [smem:$0x3FA5];
	_ =	sdelay $0x3  }
0x36: {  	p1 =	seq.s32 s10, $0x1;
	s10 =	sld [smem:$0x3FA6];
	_ =	sdelay $0x3  }
0x37: {  	[smem:$0x3FA6] =	sst s10  }
0x38: {  	s10 =	sld [smem:$0x3FA7]  }
0x39: {  	_ = 	snop;
	(pc) =	sbr.ind lr, $3  }
0x3a: {  	_ = 	snop  }
0x3b: {  	_ = 	snop  }
0x3c: {  	p2 =	seq.s32 s10, $0x1;
	s10 =	sld [smem:$0x3FA6]  }
0x3d: {  	_ =	shalt  }
0x3e: {  	_ =	shalt  }
0x3f: {  	_ =	shalt  }
0x40: {  	_ =	shalt  }
0x41: {  	_ =	shalt  }
0x42: {  	_ =	shalt  }
0x43: {  	_ =	shalt  }
0x44: {  	_ =	shalt  }
0x45: {  	_ =	shalt  }
0x46: {  	_ =	shalt  }
0x47: {  	_ =	shalt  }
0x48: {  	_ =	shalt  }
0x49: {  	_ =	shalt  }
0x4a: {  	_ =	shalt  }
0x4b: {  	_ =	shalt  }
0x4c: {  	_ =	shalt  }
0x4d: {  	_ =	shalt  }
0x4e: {  	_ =	shalt  }
0x4f: {  	_ =	shalt  }
0x50: {  	_ =	shalt  }
0x51: {  	_ =	shalt  }
0x52: {  	_ =	shalt  }
0x53: {  	_ =	shalt  }
0x54: {  	_ =	shalt  }
0x55: {  	_ =	shalt  }
0x56: {  	_ =	shalt  }
0x57: {  	_ =	shalt  }
0x58: {  	_ =	shalt  }
0x59: {  	_ =	shalt  }
0x5a: {  	_ =	shalt  }
0x5b: {  	_ =	shalt  }
0x5c: {  	_ =	shalt  }
0x5d: {  	_ =	shalt  }
0x5e: {  	_ =	shalt  }
0x5f: {  	_ =	shalt  }
0x60: {  	_ =	shalt  }
0x61: {  	_ =	shalt  }
0x62: {  	_ =	shalt  }
0x63: {  	_ =	shalt  }
0x64: {  	_ =	shalt  }
0x65: {  	_ =	shalt  }
0x66: {  	_ =	shalt  }
0x67: {  	_ =	shalt  }
0x68: {  	_ =	shalt  }
0x69: {  	_ =	shalt  }
0x6a: {  	_ =	shalt  }
0x6b: {  	_ =	shalt  }
0x6c: {  	_ =	shalt  }
0x6d: {  	_ =	shalt  }
0x6e: {  	_ =	shalt  }
0x6f: {  	_ =	shalt  }
0x70: {  	_ =	shalt  }
0x71: {  	_ =	shalt  }
0x72: {  	_ =	shalt  }
0x73: {  	_ =	shalt  }
0x74: {  	_ =	shalt  }
0x75: {  	_ =	shalt  }
0x76: {  	_ =	shalt  }
0x77: {  	_ =	shalt  }
0x78: {  	_ =	shalt  }
0x79: {  	_ =	shalt  }
0x7a: {  	_ =	shalt  }
0x7b: {  	_ =	shalt  }
0x7c: {  	_ =	shalt  }
0x7d: {  	_ =	shalt  }
0x7e: {  	_ =	shalt  }
0x7f: {  	_ =	shalt  }
0x80: {  	_ =	shalt  }
0x81: {  	_ =	shalt  }
0x82: {  	_ =	shalt  }
0x83: {  	_ =	shalt  }
0x84: {  	_ =	shalt  }
0x85: {  	_ =	shalt  }
0x86: {  	_ =	shalt  }
0x87: {  	_ =	shalt  }
.Lfunc_end0:
.L_simem_size_0:
called_computation.1_lowered:
.L_overlay_start_0:
0x88: {  	s2 =	sld [smem:$0x3FD9]  }
0x89: {  	s3 =	sld [smem:$0x3FFE];
	_ =	sdelay $0x1  }
0x8a: {  	s1 =	srdreg.scid  }
0x8b: {  	s0 =	sand.u32 $0x1, s1  }
0x8c: {  	s16 =	sshll.u32 s0, $0xA;
	s2 =	sadd.s32 s3, s2  }
0x8d: {  	s2 =	sadd.s32 s2, s16  }
0x8e: {  	[smem:$0x3FB2] =	sst s2  }
0x8f: {  	_ = 	snop  }
0x90: {  	(tm) =	ssettm $0x1  }
0x91: {  	s17 =	sld [smem:$0x3FFB];
	_ =	sdelay $0x3  }
0x92: {  	_ =	strace s17  }
0x93: {  	s2 =	sld [smem:$0x3FFC];
	_ =	sdelay $0x3  }
0x94: {  	_ =	strace s2  }
0x95: {  	s2 =	sld [smem:$0x3FFD];
	_ =	sdelay $0x3  }
0x96: {  	_ =	strace s2  }
0x97: {  	_ =	strace $0x8FFFFFFF  }
0x98: {  	s18 =	sld [smem:$0x3FDB];
	_ =	sdelay $0x1  }
0x99: {  	s19 =	simm.s32 $_scs_section_size  }
0x9a: {  	s4 =	simm.s32 $_size__tile_overlayer_lowered;
	s5 =	simm.s32 $_tile_overlayer_lowered  }
0x9b: {  	s22 =	simm.s32 $0x1BFF;
	s21 =	sshll.u32 s5, $0x1;
	s2 =	sadd.s32 s19, s18  }
0x9c: {  	s6 =	simm.s32 $0x0;
	s20 =	sshll.u32 s4, $0x1;
	s4 =	sadd.s32 s21, s2  }
0x9d: {  	[timem:s6], [sflag:s22] =	dma.local [hbm:s4], s20  }
0x9e: {  	_ =	swait.ge [sflag:s22], s20  }
0x9f: {  	s3 =	ssub.s32 $0x0, s20;
	[sflag:s22] =	ssyncset.done $0x0  }
0xa0: {  	[sflag:s22] =	ssyncadd.s32 s3;
	_ =	sdelay $0x1  }
0xa1: {  	s23 =	simm.s32 $0x1B8B  }
0xa2: {  	_ =	swait.ge [sflag:s23], $0x1  }
0xa3: {  	[sflag:s23] =	ssyncset.done $0x0  }
0xa4: {  	s25 =	simm.s32 $0x1B8E;
	s24 =	sld [smem:$0x3FFE];
	[sflag:s23] =	ssyncadd.s32 $0xFFFFFFFF  }
0xa5: {  	s26 =	simm.s32 $execute0_lowered;
	[smem:$0x3FD2] =	sst s25  }
0xa6: {  	s4 =	sshll.u32 s26, $0x1;
	_ =	strace $0x80000046;
	[dreg:$0x1] =	wrdreg $0xFFFFFFFF  }
0xa7: {  	s28 =	simm.s32 $_size_execute0_lowered;
	s2 =	sadd.s32 s2, s4;
	[dreg:$0x0] =	wrdreg $0x0  }
0xa8: {  	s4 =	sshll.u32 s28, $0x1;
	[dreg:$0x2] =	wrdreg s2  }
0xa9: {  	[dreg:$0x3] =	wrdreg s4  }
0xaa: {  	[dreg:$0x4] =	wrdreg $0xC0  }
0xab: {  	_ =	task [dreg:s6], $0x5FFFF  }
0xac: {  	[dreg:$0x1] =	wrdreg $0xFFFFFFFF  }
0xad: {  	[dreg:$0x0] =	wrdreg $0x60  }
0xae: {  	[dreg:$0x2] =	wrdreg s24  }
0xaf: {  	[dreg:$0x3] =	wrdreg $0x9  }
0xb0: {  	_ =	task.clear_ibuf [dreg:s6], $0x4FFFF;
	_ =	strace $0x90000046  }
0xb1: {  	s29 =	simm.s32 $0x9;
	_ =	strace $0x80000048  }
0xb2: {  	_ =	swait.ge [sflag:s29], $0x1  }
0xb3: {  	[sflag:s29] =	ssyncadd.s32 $0xFFFFFFFF  }
0xb4: {  	_ =	strace $0x90000048  }
0xb5: {  	_ =	sfence  }
0xb6: {  	s30 =	sld [smem:$0x0];
	_ =	sdelay $0x2  }
0xb7: {  	s31 =	sshll.u32 s1, $0xD;
	s1 =	sshrl.u32 s1, $0x2  }
0xb8: {  	s3 =	sand.u32 $0x4000, s31;
	s1 =	sadd.s32 s1, s30  }
0xb9: {  	s0 =	sor.u32 s3, s0;
	s1 =	sshll.u32 s1, $0x11  }
0xba: {  	s0 =	sor.u32 s1, s0  }
0xbb: {  	s0 =	sadd.s32 $0x8F2B, s0  }
0xbc: {  	[sflag:s0] =	ssyncadd.remote.s32 $0x1  }
0xbd: {  	_ =	sfence.sel $0xFFFF  }
0xbe: {  	[dreg:$0x0] =	wrdreg $0xFFFFFFFF;
	(pc) =	sbr.abs _section_cstart, $3  }
0xbf: {  	[dreg:$0x1] =	wrdreg $0xFFFFFFFF  }
0xc0: {  	_ =	task.clear_ibuf [dreg:s6], $0x2FFFF;
	_ =	strace $0x9FFFFFFF  }
0xc1: {  	(tm) =	ssettm $0x7FFFFFFF  }
tec
execute0_lowered:
.L_overlay_start_1:
0x0: {  	(tag) =	ssettag $0x1  }
0x1: {  	s8 =	rddreg [dreg:$0x0]  }
0x2: {  	s0 =	rddreg [dreg:$0x1];
	_ =	strace $0x80000047;
	s1 =	stileid.u32  }
0x3: {  	s3 =	srdreg.scid;
	s4 =	simm.s32 $0x1;
	s7 =	simm.s32 $0x1  }
0x4: {  	s9 =	simm.s32 $0x1;
	s10 =	simm.s32 $0x3;
	s13 =	simm.s32 $0x0  }
0x5: {  	s12 =	simm.s32 $0x0;
	s5 =	sand.u32 $0x1, s3;
	s6 =	sshll.u32 s1, $0x1  }
0x6: {  	s2 =	sadd.s32 $0x5200, s8;
	s3 =	sadd.s32 $0xB400, s8;
	s5 =	sor.u32 s6, s5  }
.Ltmp0:
0x7: {  	[sflag:s4] =	ssyncpa.u1 $0x0;
	p0 =	slt.u32 s5, $0x9;
	(pc) =	sbr.rel .LBB2_1-.Ltmp0, $4  }
0x8: {  	s6 =	simm.s32 $0x2;
	s7 =	simm.s32 @!p0 $0x0;
	p0 =	sne.s32 s5, $0x8  }
0x9: {  	[sflag:s6] =	ssyncpa.u1 $0x0;
	s5 =	smul.u32 $0xFA0, s5;
	s9 =	simm.s32 @!p0 $0x0  }
0xa: {  	s8 =	sadd.s32 $0x4FCC00, s8;
	[sflag:s10] =	ssyncpa.u1 $0x0;
	s7 =	sadd.s32 s9, s7  }
0xb: {  	vm0 =	vmmov $0xffff;
	s10 =	simm.s32 $0x0;
	s11 =	smov.u32 s5;
	s9 =	sadd.s32 $0x1, s7  }
.LBB2_4:
0xc: {  	v2 =	vnsel vm1, $0x0, v2  }
0xd: {  	vm1 =	vgt.s32 v0, $0x0;
	v2 =	vmin.u32 v2, $0x270FF  }
0xe: {  	v0 =	vnsel vm1, $0x0, v0  }
0xf: {  	v0 =	vmin.u32 v0, $0x270FF  }
0x10: {  	[tilespmem:s18], [sflag:$0x1] =	stream.indirect_vreg.gather [hbm4b:s2+s10], $0x1, v1, vm0, $0x4038;
	[tilespmem:$0x3E80] =	vst v63  }
0x11: {  	(ifvalue) =	ssetifvalue $0x7FFFFFFF  }
0x12: {  	[tilespmem:s15], [sflag:$0x1] =	stream.indirect_vreg.gather [hbm4b:s2+s10], $0x1, v2, vm0, $0x4038;
	[tilespmem:$0x3E80] =	vst v63  }
0x13: {  	s29 =	sadd.s32 $0x10, s15;
	(ifvalue) =	ssetifvalue $0x7FFFFFFF  }
0x14: {  	[tilespmem:s29], [sflag:$0x1] =	stream.indirect_vreg.gather [hbm4b:s2+s10], $0x1, v0, vm0, $0x4038;
	[tilespmem:$0x3E80] =	vst v63  }
0x15: {  	_ =	swait.ge [sflag:s4], $0xFA0  }
0x16: {  	s30 =	sshrl.u32 s13, $0x3;
	[sflag:s4] =	ssyncset.done $0x0  }
0x17: {  	s31 =	sand.u32 $0x7, s13;
	s15 =	sadd.s32 s8, s30;
	[sflag:s4] =	ssyncadd.s32 $0xFFFFF060  }
0x18: {  	[hbm4b:s15+s31] =	stream.linear.scatter [tilespmem:s14], [sflag:$0x3], $0xFA0, $0x38;
	[tilespmem:$0x3E80] =	vst v63  }
.LBB2_5:
0x19: {  	s15 =	sadd.s32 $0x1F400, s11  }
0x1a: {  	p1 =	sgt.s32 s15, $0x270FF  }
0x1b: {  	s15 =	smov.u32 @p1 s5;
	p1 =	sne.s32 s12, s9  }
.Ltmp1:
0x1c: {  	p0 =	slt.u32 s12, $0x2;
	(pc) =	sbr.rel @!p1 .LBB2_6-.Ltmp1, $4  }
0x1d: {  	s14 =	simm.s32 @!p0 $0x3  }
0x1e: {  	_ =	swait.ge @!p0 [sflag:s14], $0xFA0  }
0x1f: {  	s16 =	sadd.s32 $0x1, s12;
	s13 =	smov.u32 s11;
	[sflag:s14] =	ssyncset.done @!p0 $0x0  }
0x20: {  	s12 =	smov.u32 s16;
	s11 =	smov.u32 s15;
	[sflag:s14] =	ssyncadd.s32 @!p0 $0xFFFFF060  }
.LBB2_1:
0x21: {  	p0 =	sge.u32 s12, s7  }
0x22: {  	s14 =	sxor.u32 @!p0 $0x1, s12  }
0x23: {  	s14 =	smul.u32 @!p0 $0x3E80, s14  }
0x24: {  	s31 =	sadd.s32 $0xFFFFFFFF, s12;
	s15 =	sshrl.u32 @!p0 s11, $0x3  }
0x25: {  	s16 =	sand.u32 @!p0 $0x7, s11;
	s15 =	sadd.s32 @!p0 s3, s15;
	s14 =	sshra.s32 @!p0 s14, $0x2  }
0x26: {  	[tilespmem:s14], [sflag:$0x2] =	stream.linear.gather @!p0 [hbm4b:s15+s16], $0xFA0, $0x38;
	[tilespmem:$0x3E80] =	vst v63  }
0x27: {  	p0 =	sge.u32 s31, s7  }
.Ltmp2:
0x28: {  	_ = 	snop;
	(pc) =	sbr.rel @p0 .LBB2_5-.Ltmp2, $1  }
0x29: {  	_ =	sdelay $0x3  }
0x2a: {  	s14 =	sand.u32 $0x1, s12  }
0x2b: {  	_ =	swait.ge [sflag:s6], $0xFA0;
	p0 =	seq.s32 s14, $0x1;
	s14 =	simm.s32 $0xFA0  }
0x2c: {  	[sflag:s6] =	ssyncset.done $0x0;
	s14 =	simm.s32 @!p0 $0x0  }
0x2d: {  	[sflag:s6] =	ssyncadd.s32 $0xFFFFF060;
	(ifvalue) =	ssetifvalue $0x7FFFFFFF;
	v0 =	vld.msk [tilespmem:s14+$0x0 ss:$0x1], $0xffff;
	_ =	sdelay $0x4  }
0x2e: {  	s15 =	sadd.s32 $0x10, s14;
	vm1 =	vgt.s32 v0, $0x0  }
0x2f: {  	v2 =	vld.msk [tilespmem:s15+$0x0 ss:$0x1], $0xffff;
	v1 =	vnsel vm1, $0x0, v0  }
0x30: {  	v1 =	vmin.u32 v1, $0x270FF;
	_ =	sdelay $0x2  }
0x31: {  	s17 =	simm.s32 $0x20;
	s14 =	sadd.s32 $0x1F40, s14;
	s16 =	sadd.s32 $0x10, s15  }
0x32: {  	s15 =	sadd.s32 $0x10, s14;
	s18 =	smov.u32 s14;
	v0 =	vld.msk [tilespmem:s16+$0x0 ss:$0x1], $0xffff;
	vm1 =	vgt.s32 v2, $0x0;
	(ifvalue) =	ssetifvalue $0x7FFFFFFF  }
.LBB2_3:
0x33: {  	[tilespmem:s18], [sflag:$0x1] =	stream.indirect_vreg.gather [hbm4b:s2+s10], $0x1, v1, vm0, $0x4038;
	[tilespmem:$0x3E80] =	vst v63  }
0x34: {  	s17 =	sadd.s32 $0x10, s17  }
0x35: {  	v2 =	vnsel vm1, $0x0, v2;
	p0 =	slt.u32 s17, $0xF90  }
.Ltmp3:
0x36: {  	s18 =	smov.u32 s15;
	v1 =	vmin.u32 v2, $0x270FF;
	(pc) =	sbr.rel @p0 .LBB2_3-.Ltmp3, $3  }
0x37: {  	_ =	sdelay $0x1  }
0x38: {  	s16 =	sadd.s32 $0x10, s16  }
0x39: {  	vm1 =	vgt.s32 v0, $0x0;
	s15 =	sadd.s32 $0x10, s15;
	v2 =	vmov v0;
	(ifvalue) =	ssetifvalue $0x7FFFFFFF;
	v0 =	vld.msk [tilespmem:s16+$0x0 ss:$0x1], $0xffff  }
.Ltmp4:
0x3a: {  	_ = 	snop;
	(pc) =	sbr.rel .LBB2_4-.Ltmp4, $1  }
0x3b: {  	_ =	sdelay $0x3  }
.LBB2_6:
0x3c: {  	_ =	sfence.sel $0x180000  }
0x3d: {  	s2 =	simm.s32 $0x2;
	[bflag:$0x0] =	sbarrier.arrive $0xFFFF  }
0x3e: {  	s30 =	simm.s32 $0x3;
	[sflag:s2] =	ssyncpa.u1 $0x1  }
0x3f: {  	s31 =	simm.s32 $0x1;
	[sflag:s30] =	ssyncpa.u1 $0x1  }
0x40: {  	[sflag:s31] =	ssyncpa.u1 $0x1  }
0x41: {  	p0 =	sne.s32 s1, $0x0;
	_ =	strace $0x90000047  }
0x42: {  	s0 =	sadd.s32 @!p0 $0x100000, s0;
	[bflag:$0x2] =	sbarrier.arrive $0xFFFF  }
0x43: {  	[sflag:s0] =	ssyncadd.tile.s32 @!p0 $0x1;
	_ =	shalt  }
.Lfunc_end2:
_tile_overlayer_lowered:
.L_overlay_start_2:
0x44: {  	(tag) =	ssettag $0x2  }
0x45: {  	s0 =	rddreg [dreg:$0x0];
	s2 =	stileid.u32  }
0x46: {  	s1 =	rddreg [dreg:$0x1];
	p0 =	sne.s32 s2, $0x0  }
0x47: {  	s3 =	rddreg [dreg:$0x2];
	[bflag:$0x3] =	sbarrier.arrive $0xFFFF;
	s2 =	simm.s32 @!p0 $0x1C01  }
0x48: {  	[timem:s3], [sflag:s2] =	dma.local @!p0 [hbm:s0], s1  }
0x49: {  	s0 =	simm.s32 @!p0 $0x1  }
0x4a: {  	_ =	swait.ge @!p0 [sflag:s0], s1  }
0x4b: {  	s1 =	ssub.s32 @!p0 $0x0, s1;
	[sflag:s0] =	ssyncset.done @!p0 $0x0  }
0x4c: {  	[sflag:s0] =	ssyncadd.s32 @!p0 s1  }
0x4d: {  	[bflag:$0x3] =	sbarrier.arrive $0xFFFF  }
0x4e: {  	_ =	shalt  }

// kernel: sparse-core-data-format-call.cloned.1.call-start
scs
called_computation_lowered:
.L_overlay_start_0:
0x0: {  	s2 =	sld [smem:$0x3FD9]  }
0x1: {  	s3 =	sld [smem:$0x3FFE];
	_ =	sdelay $0x1  }
0x2: {  	s1 =	srdreg.scid  }
0x3: {  	s0 =	sand.u32 $0x1, s1  }
0x4: {  	s18 =	sshll.u32 s0, $0xA;
	s2 =	sadd.s32 s3, s2  }
0x5: {  	s2 =	sadd.s32 s2, s18  }
0x6: {  	[smem:$0x3FB2] =	sst s2  }
0x7: {  	_ = 	snop  }
0x8: {  	s2 =	sld [smem:$0x3FD0];
	(tm) =	ssettm $0x1  }
0x9: {  	s19 =	sld [smem:$0x3FFB];
	_ =	sdelay $0x3  }
0xa: {  	_ =	strace s19  }
0xb: {  	s3 =	sld [smem:$0x3FFC];
	_ =	sdelay $0x3  }
0xc: {  	_ =	strace s3  }
0xd: {  	s3 =	sld [smem:$0x3FFD];
	_ =	sdelay $0x3  }
0xe: {  	_ =	strace s3  }
0xf: {  	_ =	strace $0x8FFFFFFF  }
0x10: {  	s20 =	sld [smem:$0x3FDB];
	_ =	sdelay $0x1  }
0x11: {  	s4 =	simm.s32 $_scs_section_size  }
0x12: {  	s5 =	simm.s32 $_size__tile_overlayer_lowered;
	s6 =	simm.s32 $_tile_overlayer_lowered  }
0x13: {  	s23 =	simm.s32 $0x1BFF;
	s22 =	sshll.u32 s6, $0x1;
	s3 =	sadd.s32 s4, s20  }
0x14: {  	s7 =	simm.s32 $0x0;
	s21 =	sshll.u32 s5, $0x1;
	s5 =	sadd.s32 s22, s3  }
0x15: {  	[timem:s7], [sflag:s23] =	dma.local [hbm:s5], s21  }
0x16: {  	_ =	swait.ge [sflag:s23], s21  }
0x17: {  	s4 =	ssub.s32 $0x0, s21;
	[sflag:s23] =	ssyncset.done $0x0  }
0x18: {  	[sflag:s23] =	ssyncadd.s32 s4;
	_ =	sdelay $0x1  }
0x19: {  	s24 =	simm.s32 $0x1B8B  }
0x1a: {  	_ =	swait.ge [sflag:s24], $0x1  }
0x1b: {  	[sflag:s24] =	ssyncset.done $0x0  }
0x1c: {  	s26 =	simm.s32 $0x1B8E;
	s25 =	sld [smem:$0x3FFE];
	[sflag:s24] =	ssyncadd.s32 $0xFFFFFFFF  }
0x1d: {  	s27 =	simm.s32 $execute0_lowered;
	[smem:$0x3FD2] =	sst s26  }
0x1e: {  	s5 =	sshll.u32 s27, $0x1;
	_ =	strace $0x8000004C;
	[dreg:$0x1] =	wrdreg $0xFFFFFFFF  }
0x1f: {  	s28 =	simm.s32 $_size_execute0_lowered;
	s3 =	sadd.s32 s3, s5;
	[dreg:$0x0] =	wrdreg $0x0  }
0x20: {  	s5 =	sshll.u32 s28, $0x1;
	[dreg:$0x2] =	wrdreg s3  }
0x21: {  	[dreg:$0x3] =	wrdreg s5  }
0x22: {  	[dreg:$0x4] =	wrdreg $0xC0  }
0x23: {  	_ =	task [dreg:s7], $0x5FFFF  }
0x24: {  	[dreg:$0x1] =	wrdreg $0xFFFFFFFF  }
0x25: {  	[dreg:$0x0] =	wrdreg $0x60  }
0x26: {  	[dreg:$0x2] =	wrdreg s25  }
0x27: {  	[dreg:$0x3] =	wrdreg s2  }
0x28: {  	[dreg:$0x4] =	wrdreg $0x9  }
0x29: {  	_ =	task.clear_ibuf [dreg:s7], $0x5FFFF;
	_ =	strace $0x9000004C  }
0x2a: {  	s29 =	simm.s32 $0x9;
	_ =	strace $0x8000004E  }
0x2b: {  	_ =	swait.ge [sflag:s29], $0x1  }
0x2c: {  	[sflag:s29] =	ssyncadd.s32 $0xFFFFFFFF  }
0x2d: {  	_ =	strace $0x9000004E  }
0x2e: {  	_ =	sfence  }
0x2f: {  	s30 =	sld [smem:$0x0];
	_ =	sdelay $0x2  }
0x30: {  	s31 =	sshll.u32 s1, $0xD;
	s1 =	sshrl.u32 s1, $0x2  }
0x31: {  	s3 =	sand.u32 $0x4000, s31;
	s1 =	sadd.s32 s1, s30  }
0x32: {  	s0 =	sor.u32 s3, s0;
	s1 =	sshll.u32 s1, $0x11  }
0x33: {  	s0 =	sor.u32 s1, s0  }
0x34: {  	s0 =	sadd.s32 $0x8F2B, s0  }
0x35: {  	[sflag:s0] =	ssyncadd.remote.s32 $0x1  }
0x36: {  	_ =	sfence.sel $0xFFFF  }
0x37: {  	[dreg:$0x0] =	wrdreg $0xFFFFFFFF;
	(pc) =	sbr.abs _section_cstart, $3  }
0x38: {  	[dreg:$0x1] =	wrdreg $0xFFFFFFFF  }
0x39: {  	_ =	task.clear_ibuf [dreg:s7], $0x2FFFF;
	_ =	strace $0x9FFFFFFF  }
0x3a: {  	(tm) =	ssettm $0x7FFFFFFF  }
0x3b: {  	_ =	shalt  }
tec
execute0_lowered:
.L_overlay_start_1:
0x0: {  	(tag) =	ssettag $0x1  }
0x1: {  	s5 =	rddreg [dreg:$0x0]  }
0x2: {  	s0 =	srdreg.scid;
	s3 =	rddreg [dreg:$0x1];
	s31 =	simm.s32 $0x2  }
0x3: {  	s8 =	simm.s32 $0x0;
	s9 =	simm.s32 $0x0;
	s1 =	sshll.u32 s0, $0x4  }
0x4: {  	s16 =	simm.s32 $0x0;
	s0 =	stileid.u32;
	s1 =	sand.u32 $0x10, s1  }
0x5: {  	s15 =	simm.s32 $0x0;
	s10 =	simm.s32 $0x0;
	s1 =	sor.u32 s0, s1  }
0x6: {  	s11 =	simm.s32 $0x0;
	s12 =	simm.s32 $0x0;
	s2 =	sshll.u32 s1, $0x7  }
.Ltmp0:
0x7: {  	s14 =	simm.s32 $0x0;
	s4 =	ssub.s32 $0x2700, s2;
	(pc) =	sbr.rel .LBB1_1-.Ltmp0, $4  }
0x8: {  	s23 =	simm.s32 $0x0;
	s1 =	rddreg [dreg:$0x2];
	s6 =	sshrl.u32 s4, $0xC  }
0x9: {  	_ =	strace $0x8000004D;
	s4 =	simm.s32 $0x1;
	s7 =	smul.u32 $0x9, s6  }
0xa: {  	s5 =	sadd.s32 $0x4C00, s5;
	s13 =	smov.u32 s2;
	[sflag:s4] =	ssyncpa.u1 $0x0  }
0xb: {  	[sflag:s31] =	ssyncpa.u1 $0x0;
	s6 =	sadd.s32 $0x9, s7;
	s7 =	sadd.s32 $0xA, s7  }
.LBB1_11:
0xc: {  	s20 =	sand.u32 $0x1FFFFFF, s11;
	p0 =	sgt.s32 s10, $0x8;
	s21 =	smov.u32 s10  }
0xd: {  	s22 =	smulhi.u32 $0x1A36E2F, s20;
	s21 =	simm.s32 @!p0 $0x8  }
0xe: {  	s17 =	sadd.s32 s17, s21  }
0xf: {  	s27 =	sshrl.u32 s22, $0x6;
	s28 =	sadd.s32 $0xFFFFFFF8, s17  }
0x10: {  	s17 =	ssub.s32 $0x9, s17;
	s21 =	smul.u32 $0x2710, s27;
	p0 =	sgt.s32 s28, $0x0  }
0x11: {  	s29 =	smul.u32 $0x27100, s10;
	s17 =	simm.s32 @p0 $0x0  }
0x12: {  	s20 =	ssub.s32 s20, s21;
	s17 =	smul.u32 s17, s18  }
0x13: {  	s31 =	sadd.s32 s3, s29;
	s30 =	sshll.u32 s20, $0x4  }
0x14: {  	s19 =	sor.u32 $0x8000, s19;
	s17 =	sand.u32 $0x3FFFFF80, s17;
	s18 =	sadd.s32 s30, s31  }
0x15: {  	[hbm4b:s18+s8] =	stream.linear.scatter [tilespmem:s19], [sflag:$0x2], s17, $0x38;
	[tilespmem:$0x10000] =	vst v63  }
.LBB1_12:
0x16: {  	p0 =	slt.u32 s14, $0x2  }
0x17: {  	p1 =	sgt.s32 @!p0 s16, $0x8  }
0x18: {  	s17 =	smov.u32 s16;
	s18 =	sshra.s32 @!p0 s16, $0x1F;
	p1 =	por !p1, p0  }
0x19: {  	s19 =	sshra.s32 @!p0 s15, $0x1F;
	s17 =	simm.s32 @p1 $0x8;
	p1 =	sgt.s32 @!p0 s15, $0x2690  }
0x1a: {  	s16 =	sand.u32 @!p0 s18, s16;
	s18 =	smov.u32 s15;
	p1 =	por !p1, p0  }
0x1b: {  	s15 =	sand.u32 @!p0 s19, s15;
	s18 =	simm.s32 @p1 $0x2690  }
0x1c: {  	s19 =	smov.u32 s13;
	s16 =	ssub.s32 @!p0 s17, s16;
	s15 =	ssub.s32 @!p0 s18, s15  }
0x1d: {  	s17 =	sadd.s32 @!p0 $0xFFFFFFF8, s16;
	s16 =	ssub.s32 @!p0 $0x9, s16;
	s15 =	sadd.s32 @!p0 $0xFFFFD970, s15  }
0x1e: {  	p1 =	sgt.s32 @!p0 s17, $0x0;
	p2 =	sgt.s32 @!p0 s15, $0x7F;
	s15 =	sshll.u32 @!p0 s15, $0x7  }
0x1f: {  	p1 =	por !p1, p0;
	s15 =	ssub.s32 @!p0 $0x4000, s15;
	p2 =	por !p2, p0  }
0x20: {  	s17 =	sadd.s32 $0x1, s12;
	s16 =	simm.s32 @!p1 $0x0;
	s15 =	simm.s32 @!p2 $0x0  }
0x21: {  	p1 =	sgt.s32 s17, $0x8;
	s15 =	smul.u32 @!p0 s16, s15;
	s16 =	sadd.s32 $0x1000, s13  }
0x22: {  	s19 =	smov.u32 @p1 s16  }
0x23: {  	s17 =	simm.s32 @p1 $0x0;
	p1 =	sgt.s32 s19, $0x270F  }
0x24: {  	s19 =	smov.u32 @p1 s2;
	p1 =	sne.s32 s14, s7  }
.Ltmp1:
0x25: {  	s9 =	sadd.s32 $0x4000, s9;
	s18 =	simm.s32 @!p0 $0x2;
	(pc) =	sbr.rel @!p1 .LBB1_13-.Ltmp1, $4  }
0x26: {  	s16 =	smov.u32 s10;
	s10 =	smov.u32 s12;
	s15 =	sand.u32 @!p0 $0x3FFFFF80, s15  }
0x27: {  	s12 =	smov.u32 s17;
	_ =	swait.ge @!p0 [sflag:s18], s15;
	s20 =	ssub.s32 @!p0 $0x0, s15  }
0x28: {  	s15 =	smov.u32 s11;
	s14 =	sadd.s32 $0x1, s14;
	[sflag:s18] =	ssyncset.done @!p0 $0x0  }
0x29: {  	s11 =	smov.u32 s13;
	s13 =	smov.u32 s19;
	[sflag:s18] =	ssyncadd.s32 @!p0 s20  }
.LBB1_1:
0x2a: {  	p0 =	sge.u32 s14, s6  }
0x2b: {  	p1 =	sgt.s32 @!p0 s13, $0x2690  }
0x2c: {  	s17 =	smov.u32 s13;
	s19 =	smov.u32 s12;
	p1 =	por !p1, p0  }
0x2d: {  	s18 =	sshra.s32 @!p0 s13, $0x1F;
	s17 =	simm.s32 @p1 $0x2690;
	p1 =	sgt.s32 @!p0 s12, $0xF  }
0x2e: {  	s20 =	sshra.s32 @!p0 s12, $0x1F;
	s18 =	sand.u32 @!p0 s18, s13;
	p1 =	por !p1, p0  }
0x2f: {  	s17 =	ssub.s32 @!p0 s17, s18;
	s18 =	sand.u32 @!p0 s20, s12;
	s19 =	simm.s32 @p1 $0xF  }
0x30: {  	s20 =	sshll.u32 @!p0 s12, $0x4;
	s17 =	sadd.s32 @!p0 $0xFFFFD970, s17;
	s18 =	ssub.s32 @!p0 s19, s18  }
0x31: {  	p1 =	sgt.s32 @!p0 s17, $0x7F;
	s17 =	sshll.u32 @!p0 s17, $0x7;
	s19 =	sadd.s32 @!p0 $0xFFFFFFF1, s18  }
0x32: {  	s18 =	ssub.s32 @!p0 $0x10, s18;
	s17 =	ssub.s32 @!p0 $0x4000, s17;
	p2 =	sgt.s32 @!p0 s19, $0x0  }
0x33: {  	p1 =	por !p1, p0;
	s19 =	sxor.u32 @!p0 $0xFFFFFFFF, s14;
	p2 =	por !p2, p0  }
0x34: {  	s17 =	simm.s32 @!p1 $0x0;
	s19 =	sshll.u32 @!p0 s19, $0xE;
	s18 =	simm.s32 @!p2 $0x0  }
0x35: {  	s17 =	smul.u32 @!p0 s18, s17;
	s18 =	sand.u32 @!p0 $0x4000, s19;
	s19 =	sshll.u32 @!p0 s13, $0x8  }
0x36: {  	s21 =	simm.s32 @!p0 $0x800;
	s20 =	sand.u32 @!p0 $0xF0, s20;
	s19 =	sadd.s32 @!p0 s5, s19  }
0x37: {  	s17 =	sand.u32 @!p0 $0x3FFFFF80, s17;
	s19 =	sadd.s32 @!p0 s20, s19;
	s20 =	simm.s32 @!p0 $0x80  }
0x38: {  	[tilespmem:s18], [sflag:$0x1] =	stream.strided.gather @!p0 [hbm4b:s19+s20], s17, s21, s20, $0x38;
	[tilespmem:$0x10000] =	vst v63  }
0x39: {  	p0 =	seq.s32 s14, $0x0  }
0x3a: {  	p1 =	sge.u32 @!p0 s14, s7  }
0x3b: {  	p0 =	por p0, p1  }
.Ltmp2:
0x3c: {  	_ = 	snop;
	(pc) =	sbr.rel @p0 .LBB1_12-.Ltmp2, $1  }
0x3d: {  	_ =	sdelay $0x3  }
0x3e: {  	p0 =	sgt.s32 s11, $0x2690;
	s17 =	smov.u32 s11;
	s18 =	sshra.s32 s11, $0x1F  }
0x3f: {  	s19 =	ssub.s32 $0x0, s10;
	s17 =	simm.s32 @!p0 $0x2690;
	s18 =	sand.u32 s18, s11  }
0x40: {  	s20 =	sshra.s32 s10, $0x1F;
	s21 =	smov.u32 s10;
	s18 =	ssub.s32 s17, s18  }
0x41: {  	p0 =	sgt.s32 s10, $0xF;
	s17 =	sand.u32 s19, s20;
	s18 =	sadd.s32 $0xFFFFD970, s18  }
0x42: {  	s21 =	simm.s32 @!p0 $0xF;
	p0 =	sgt.s32 s18, $0x7F;
	s18 =	sshll.u32 s18, $0x7  }
0x43: {  	s20 =	sadd.s32 $0x80, s11;
	s19 =	sadd.s32 s17, s21;
	s18 =	ssub.s32 $0x4000, s18  }
0x44: {  	s21 =	sadd.s32 $0x1, s10;
	s18 =	simm.s32 @p0 $0x0;
	p0 =	slt.s32 s20, $0x2710  }
0x45: {  	s30 =	sadd.s32 $0xFFFFFFF1, s19;
	s20 =	simm.s32 @!p0 $0x2710;
	p0 =	slt.s32 s21, $0x9  }
0x46: {  	s19 =	ssub.s32 $0x10, s19;
	s20 =	ssub.s32 s20, s11;
	s21 =	simm.s32 @!p0 $0x9  }
0x47: {  	p1 =	sgt.s32 s30, $0x0;
	s21 =	ssub.s32 s21, s10;
	p0 =	slt.s32 s20, $0x1  }
0x48: {  	s19 =	simm.s32 @p1 $0x0;
	p1 =	slt.s32 @!p0 s21, $0x1  }
0x49: {  	s19 =	smul.u32 s19, s18;
	p0 =	por p0, p1  }
.Ltmp3:
0x4a: {  	_ = 	snop;
	(pc) =	sbr.rel @p0 .LBB1_11-.Ltmp3, $4  }
0x4b: {  	s19 =	sand.u32 $0x3FFFFF80, s19  }
0x4c: {  	_ =	swait.ge [sflag:s4], s19  }
0x4d: {  	s31 =	sshll.u32 s14, $0xE;
	s22 =	ssub.s32 $0x0, s19;
	[sflag:s4] =	ssyncset.done $0x0  }
0x4e: {  	s19 =	sand.u32 $0x4000, s31;
	[sflag:s4] =	ssyncadd.s32 s22  }
0x4f: {  	s22 =	sshll.u32 s9, $0x2  }
0x50: {  	s22 =	sand.u32 $0x10000, s22  }
0x51: {  	s22 =	sshrl.u32 s22, $0x2  }
0x52: {  	s24 =	simm.s32 $0x0;
	s25 =	simm.s32 $0x0;
	s22 =	sadd.s32 $0x8040, s22  }
.LBB1_4:
0x53: {  	s27 =	sshll.u32 s25, $0x7  }
0x54: {  	p1 =	sne.s32 s21, $0x1;
	s27 =	sadd.s32 s27, s19  }
.Ltmp4:
0x55: {  	v0 =	vmov s27;
	(pc) =	sbr.rel @!p1 .LBB1_5-.Ltmp4, $3  }
0x56: {  	_ =	sdelay $0x1  }
0x57: {  	s26 =	sand.u32 $0x3F80, s24;
	s28 =	sand.u32 $0x380, s23  }
0x58: {  	p0 =	por $0x0, $0x0;
	s26 =	sadd.s32 s26, s22;
	s27 =	sadd.s32 $0xFFFFFFFF, s21  }
0x59: {  	_ =	sdelay $0x3  }
0x5a: {  	v6 =	vld.idx.msk [tilespmem:v0+s28+$0x70 ss:$0x1], $0xffff  }
0x5b: {  	v7 =	vld.idx.msk [tilespmem:v0+s28+$0x0 ss:$0x1], $0xffff  }
0x5c: {  	v1 =	vld.idx.msk [tilespmem:v0+s28+$0x10 ss:$0x1], $0xffff;
	p1 =	sne.s32 s27, $0x1  }
.Ltmp5:
0x5d: {  	v2 =	vld.idx.msk [tilespmem:v0+s28+$0x20 ss:$0x1], $0xffff;
	(pc) =	sbr.rel @!p1 .LBB1_7-.Ltmp5, $4  }
0x5e: {  	v3 =	vld.idx.msk [tilespmem:v0+s28+$0x30 ss:$0x1], $0xffff  }
0x5f: {  	v4 =	vld.idx.msk [tilespmem:v0+s28+$0x40 ss:$0x1], $0xffff  }
0x60: {  	v5 =	vld.idx.msk [tilespmem:v0+s28+$0x50 ss:$0x1], $0xffff;
	s30 =	simm.s32 $0x80;
	s31 =	sadd.s32 $0xFFFFFFFF, s27;
	[tilespmem:s26+$0x30] =	vst v6  }
0x61: {  	p0 =	por $0x1, $0x1;
	s27 =	smov.u32 s26;
	s29 =	sand.u32 $0x380, s30;
	[tilespmem:s26+$0xFFFFFFC0] =	vst v7;
	v6 =	vld.idx.msk [tilespmem:v0+s28+$0x60 ss:$0x1], $0xffff  }
.LBB1_8:
0x62: {  	p1 =	sne.s32 s31, $0x1;
	v7 =	vld.idx.msk [tilespmem:v0+s29+$0x70 ss:$0x1], $0xffff;
	[tilespmem:s27+$0xFFFFFFD0] =	vst v1  }
0x63: {  	v8 =	vld.idx.msk [tilespmem:v0+s29+$0x0 ss:$0x1], $0xffff;
	[tilespmem:s27+$0xFFFFFFE0] =	vst v2  }
0x64: {  	v1 =	vld.idx.msk [tilespmem:v0+s29+$0x10 ss:$0x1], $0xffff;
	[tilespmem:s27+$0xFFFFFFF0] =	vst v3  }
.Ltmp6:
0x65: {  	v2 =	vld.idx.msk [tilespmem:v0+s29+$0x20 ss:$0x1], $0xffff;
	[tilespmem:s27+$0x0] =	vst v4;
	(pc) =	sbr.rel @p1 .LBB1_8-.Ltmp6, $4  }
0x66: {  	v3 =	vld.idx.msk [tilespmem:v0+s29+$0x30 ss:$0x1], $0xffff;
	[tilespmem:s27+$0x10] =	vst v5  }
0x67: {  	v4 =	vld.idx.msk [tilespmem:v0+s29+$0x40 ss:$0x1], $0xffff;
	[tilespmem:s27+$0x20] =	vst v6;
	s27 =	sadd.s32 $0x4000, s27  }
0x68: {  	s30 =	sadd.s32 $0x80, s30;
	v5 =	vld.idx.msk [tilespmem:v0+s29+$0x50 ss:$0x1], $0xffff;
	[tilespmem:s27+$0x30] =	vst v7  }
0x69: {  	s31 =	sadd.s32 $0xFFFFFFFF, s31;
	[tilespmem:s27+$0xFFFFFFC0] =	vst v8;
	v6 =	vld.idx.msk [tilespmem:v0+s29+$0x60 ss:$0x1], $0xffff;
	s29 =	sand.u32 $0x380, s30  }
0x6a: {  	s28 =	smov.u32 s29  }
.LBB1_10:
0x6b: {  	_ =	sdelay $0x2  }
0x6c: {  	[tilespmem:s27+$0xFFFFFFD0] =	vst @p0 v1  }
0x6d: {  	v56 =	vld.idx.msk [tilespmem:v0+s28+$0x70 ss:$0x1], $0xffff;
	[tilespmem:s27+$0xFFFFFFE0] =	vst @p0 v2  }
0x6e: {  	v57 =	vld.idx.msk [tilespmem:v0+s28+$0x0 ss:$0x1], $0xffff;
	[tilespmem:s27+$0xFFFFFFF0] =	vst @p0 v3  }
0x6f: {  	v58 =	vld.idx.msk [tilespmem:v0+s28+$0x10 ss:$0x1], $0xffff;
	[tilespmem:s27+$0x0] =	vst @p0 v4  }
0x70: {  	v59 =	vld.idx.msk [tilespmem:v0+s28+$0x20 ss:$0x1], $0xffff;
	s29 =	sadd.s32 @p0 $0x4000, s27;
	[tilespmem:s27+$0x10] =	vst @p0 v5  }
0x71: {  	v60 =	vld.idx.msk [tilespmem:v0+s28+$0x30 ss:$0x1], $0xffff;
	s26 =	smov.u32 @p0 s29;
	[tilespmem:s27+$0x20] =	vst @p0 v6  }
0x72: {  	v61 =	vld.idx.msk [tilespmem:v0+s28+$0x40 ss:$0x1], $0xffff;
	[tilespmem:s26+$0x30] =	vst v56  }
0x73: {  	v62 =	vld.idx.msk [tilespmem:v0+s28+$0x50 ss:$0x1], $0xffff;
	s25 =	sadd.s32 $0x1, s25;
	[tilespmem:s26+$0xFFFFFFC0] =	vst v57  }
0x74: {  	v63 =	vld.idx.msk [tilespmem:v0+s28+$0x60 ss:$0x1], $0xffff;
	p0 =	sne.s32 s25, s20;
	[tilespmem:s26+$0xFFFFFFD0] =	vst v58  }
.Ltmp7:
0x75: {  	[tilespmem:s26+$0xFFFFFFE0] =	vst v59;
	(pc) =	sbr.rel @p0 .LBB1_4-.Ltmp7, $4  }
.Ltmp8:
0x76: {  	[tilespmem:s26+$0xFFFFFFF0] =	vst v60;
	(pc) =	sbr.rel @!p0 .LBB1_11-.Ltmp8, $4  }
0x77: {  	[tilespmem:s26+$0x0] =	vst v61  }
0x78: {  	[tilespmem:s26+$0x10] =	vst v62  }
0x79: {  	s24 =	sadd.s32 $0x80, s24;
	[tilespmem:s26+$0x20] =	vst v63  }
0x7a: {  	_ = 	snop  }
.LBB1_5:
.Ltmp9:
0x7b: {  	(pc) =	sbr.rel .LBB1_10-.Ltmp9, $2  }
0x7c: {  	_ =	sdelay $0x2  }
0x7d: {  	s27 =	smov.u32 s26  }
.LBB1_7:
.Ltmp10:
0x7e: {  	(pc) =	sbr.rel .LBB1_10-.Ltmp10, $2  }
0x7f: {  	_ =	sdelay $0x2  }
0x80: {  	s28 =	smov.u32 s29;
	s27 =	smov.u32 s26  }
.LBB1_13:
0x81: {  	_ =	sfence.sel $0x180000  }
0x82: {  	s2 =	simm.s32 $0x1;
	[bflag:$0x0] =	sbarrier.arrive $0xFFFF  }
0x83: {  	s31 =	simm.s32 $0x2;
	[sflag:s2] =	ssyncpa.u1 $0x1  }
0x84: {  	[sflag:s31] =	ssyncpa.u1 $0x1  }
0x85: {  	p0 =	sne.s32 s0, $0x0;
	_ =	strace $0x9000004D  }
0x86: {  	s0 =	sadd.s32 @!p0 $0x100000, s1;
	[bflag:$0x2] =	sbarrier.arrive $0xFFFF  }
0x87: {  	[sflag:s0] =	ssyncadd.tile.s32 @!p0 $0x1;
	_ =	shalt  }
.Lfunc_end1:
_tile_overlayer_lowered:
.L_overlay_start_2:
0x88: {  	(tag) =	ssettag $0x2  }
0x89: {  	s0 =	rddreg [dreg:$0x0];
	s2 =	stileid.u32  }
0x8a: {  	s1 =	rddreg [dreg:$0x1];
	p0 =	sne.s32 s2, $0x0  }
0x8b: {  	s3 =	rddreg [dreg:$0x2];
	[bflag:$0x3] =	sbarrier.arrive $0xFFFF;
	s2 =	simm.s32 @!p0 $0x1C01  }
0x8c: {  	[timem:s3], [sflag:s2] =	dma.local @!p0 [hbm:s0], s1  }
0x8d: {  	s0 =	simm.s32 @!p0 $0x1  }
0x8e: {  	_ =	swait.ge @!p0 [sflag:s0], s1  }
0x8f: {  	s1 =	ssub.s32 @!p0 $0x0, s1;
	[sflag:s0] =	ssyncset.done @!p0 $0x0  }
0x90: {  	[sflag:s0] =	ssyncadd.s32 @!p0 s1  }
0x91: {  	[bflag:$0x3] =	sbarrier.arrive $0xFFFF  }
0x92: {  	_ =	shalt  }

</sc_bundles>
